<compile_context>
chip_gen: v7x
topology: tpu7x:2x2x1
jax: 0.10.2.dev20260603
libtpu: 0.0.44.dev20260713+nightly
codegen_flags: <defaults>
</compile_context>

<pallas_src>
import dataclasses
import functools

import jax
import jax.numpy as jnp
from jax import lax
from jax.experimental import pallas as pl
from jax.experimental.pallas import tpu as pltpu
from jax.experimental.pallas import tpu_sc as plsc

N_Q = 64
N_S = 8192
H = 64
K_TOP = 32
K_CAND = 48
SB = 128
SBW = N_S // SB
NV = SBW // 16
BIG = 1 << 20
NEG_INF = float("-inf")



def _score_body(qa_ref, qb_ref, sa_ref, sb_ref, wq_ref, bq_ref, wk_ref,
                bk_ref, ones_ref, s_ref, m2_ref, qp_ref, kp_ref):
    dn = (((1,), (1,)), ((), ()))
    mm = functools.partial(lax.dot_general, dimension_numbers=dn,
                           preferred_element_type=jnp.float32)
    bq = bq_ref[...]
    bk = bk_ref[...]
    qa = mm(qa_ref[...], wq_ref[...]) + bq
    qb = mm(qb_ref[...], wq_ref[...]) + bq
    ka = mm(sa_ref[...], wk_ref[...]) + bk
    kb = mm(sb_ref[...], wk_ref[...]) + bk
    qp_ref[...] = jnp.concatenate([qa, qb], axis=1)
    kp_ref[...] = jnp.concatenate([ka, kb], axis=1)
    norm_t = mm(ones_ref[...], ka * ka + kb * kb)
    s = 2.0 * (mm(qa, ka) + mm(qb, kb)) - norm_t
    s_ref[...] = s
    m2_ref[...] = jnp.max(s.reshape(N_Q, SB, SBW), axis=2)


def _scores(qa, qb, sa, sb, WQ, bQ, WK, bK):
    ones = jnp.ones((1, H), dtype=jnp.float32)
    return pl.pallas_call(
        _score_body,
        out_shape=[
            jax.ShapeDtypeStruct((N_Q, N_S), jnp.float32),
            jax.ShapeDtypeStruct((N_Q, SB), jnp.float32),
            jax.ShapeDtypeStruct((N_Q, 2 * H), jnp.float32),
            jax.ShapeDtypeStruct((N_S, 2 * H), jnp.float32),
        ],
    )(qa, qb, sa, sb, WQ, bQ.reshape(1, H), WK, bK.reshape(1, H), ones)



def _sc_compiler_params():
    cp = pltpu.CompilerParams()
    if "needs_layout_passes" in pltpu.CompilerParams.__dataclass_fields__:
        cp = dataclasses.replace(cp, needs_layout_passes=False)
    return cp


def _coarse_body(s_hbm, m2_hbm, kp_hbm, idx64_hbm, g_hbm, row_v, m2_v,
                 idxs_v, g_v):
    wid = lax.axis_index("s") * 2 + lax.axis_index("c")
    iota = lax.iota(jnp.int32, 16)

    @pl.loop(0, 2)
    def _row(j):
        r = wid * 2 + j
        pltpu.sync_copy(s_hbm.at[r], row_v)
        pltpu.sync_copy(m2_hbm.at[r], m2_v)

        @pl.loop(0, K_CAND)
        def _extract(i):
            chunks = [m2_v[pl.ds(cc * 16, 16)] for cc in range(SB // 16)]
            h = chunks[0]
            for cc in range(1, SB // 16):
                h = jnp.maximum(h, chunks[cc])
            gmax = jnp.max(h)
            g_star = BIG
            for cc in range(SB // 16):
                cand = jnp.min(jnp.where(chunks[cc] == gmax,
                                         iota + cc * 16, BIG))
                g_star = jnp.minimum(g_star, cand)
            base = g_star * SBW
            pos = BIG
            for t in range(NV):
                vt = row_v[pl.ds(base + t * 16, 16)]
                cand = jnp.min(jnp.where(vt == gmax, iota + t * 16, BIG))
                pos = jnp.minimum(pos, cand)
            el = base + pos
            voff = base + (pos >> 4) * 16
            vm = row_v[pl.ds(voff, 16)]
            row_v[pl.ds(voff, 16)] = jnp.where(iota == (pos & 15), NEG_INF, vm)
            nb = row_v[pl.ds(base, 16)]
            for t in range(1, NV):
                nb = jnp.maximum(nb, row_v[pl.ds(base + t * 16, 16)])
            bm = jnp.max(nb)
            coff = (g_star >> 4) * 16
            mv = m2_v[pl.ds(coff, 16)]
            m2_v[pl.ds(coff, 16)] = jnp.where(iota == (g_star & 15), bm, mv)
            ooff = (i >> 4) * 16
            iv = idxs_v[pl.ds(ooff, 16)]
            idxs_v[pl.ds(ooff, 16)] = jnp.where(iota == (i & 15), el, iv)

        pltpu.sync_copy(kp_hbm.at[idxs_v], g_v)
        pltpu.sync_copy(idxs_v, idx64_hbm.at[r])
        pltpu.sync_copy(g_v, g_hbm.at[pl.ds(r * K_CAND, K_CAND)])


def _coarse_topk(s, m2, kp):
    mesh = plsc.VectorSubcoreMesh(core_axis_name="c", subcore_axis_name="s",
                                  num_cores=2, num_subcores=16)
    fn = pl.kernel(
        _coarse_body,
        out_type=[
            jax.ShapeDtypeStruct((N_Q, K_CAND), jnp.int32),
            jax.ShapeDtypeStruct((N_Q * K_CAND, 2 * H), jnp.float32),
        ],
        mesh=mesh,
        scratch_types=[
            pltpu.VMEM((N_S,), jnp.float32),
            pltpu.VMEM((SB,), jnp.float32),
            pltpu.VMEM((K_CAND,), jnp.int32),
            pltpu.VMEM((K_CAND, 2 * H), jnp.float32),
        ],
        compiler_params=_sc_compiler_params(),
    )
    return fn(s, m2, kp)



def _rescore_body(qx_ref, g_ref, idx64_ref, idx_ref, w_ref):
    diff = qx_ref[...] - g_ref[...]
    s = diff * diff
    a = s[:, 0:8]
    for j in range(1, 16):
        a = a + s[:, j * 8:(j + 1) * 8]
    a = a[:, :4] + a[:, 4:]
    a = a[:, :2] + a[:, 2:]
    d2 = a[:, 0:1] + a[:, 1:2]
    dd = jnp.sqrt(d2)
    sim = -(dd * dd) * 0.125
    e = sim.reshape(N_Q, K_CAND)
    ix = idx64_ref[...]
    vals_cols = []
    idx_cols = []
    for _ in range(K_TOP):
        rowmax = jnp.max(e, axis=1, keepdims=True)
        hit = e == rowmax
        el = jnp.min(jnp.where(hit, ix, BIG), axis=1, keepdims=True)
        e = jnp.where(hit & (ix == el), NEG_INF, e)
        vals_cols.append(rowmax)
        idx_cols.append(el)
    vals = jnp.concatenate(vals_cols, axis=1)
    idx_ref[...] = jnp.concatenate(idx_cols, axis=1)
    ex = jnp.exp(vals - vals[:, 0:1])
    w_ref[...] = ex / jnp.sum(ex, axis=1, keepdims=True)


def _rescore_body(qx_ref, g_ref, e_ref):
    diff = qx_ref[...] - g_ref[...]
    s = diff * diff
    a = s[:, 0:8]
    for j in range(1, 16):
        a = a + s[:, j * 8:(j + 1) * 8]
    a = a[:, :4] + a[:, 4:]
    a = a[:, :2] + a[:, 2:]
    d2 = a[:, 0:1] + a[:, 1:2]
    dd = jnp.sqrt(d2)
    sim = -(dd * dd) * 0.125
    e_ref[...] = sim.reshape(N_Q, K_CAND)


def _rescore(qx, g):
    return pl.pallas_call(
        _rescore_body,
        out_shape=jax.ShapeDtypeStruct((N_Q, K_CAND), jnp.float32),
    )(qx, g)



def _final_body(e_hbm, idx64_hbm, idx_hbm, w_hbm, ev, iv, vals_v, idxs_v):
    wid = lax.axis_index("s") * 2 + lax.axis_index("c")
    iota = lax.iota(jnp.int32, 16)
    nch = K_CAND // 16

    @pl.loop(0, 2)
    def _row(j):
        r = wid * 2 + j
        pltpu.sync_copy(e_hbm.at[r], ev)
        pltpu.sync_copy(idx64_hbm.at[r], iv)

        @pl.loop(0, K_TOP)
        def _extract(i):
            vts = [ev[pl.ds(t * 16, 16)] for t in range(nch)]
            its = [iv[pl.ds(t * 16, 16)] for t in range(nch)]
            h = vts[0]
            for t in range(1, nch):
                h = jnp.maximum(h, vts[t])
            gmax = jnp.max(h)
            el = BIG
            for t in range(nch):
                el = jnp.minimum(el, jnp.min(jnp.where(vts[t] == gmax,
                                                       its[t], BIG)))
            for t in range(nch):
                hit = (vts[t] == gmax) & (its[t] == el)
                ev[pl.ds(t * 16, 16)] = jnp.where(hit, NEG_INF, vts[t])
            ooff = (i >> 4) * 16
            vv = vals_v[pl.ds(ooff, 16)]
            vals_v[pl.ds(ooff, 16)] = jnp.where(iota == (i & 15), gmax, vv)
            ivv = idxs_v[pl.ds(ooff, 16)]
            idxs_v[pl.ds(ooff, 16)] = jnp.where(iota == (i & 15), el, ivv)

        v0 = vals_v[pl.ds(0, 16)]
        v1 = vals_v[pl.ds(16, 16)]
        mx = jnp.max(v0)
        e0 = jnp.exp(v0 - mx)
        e1 = jnp.exp(v1 - mx)
        tot = jnp.sum(e0) + jnp.sum(e1)
        vals_v[pl.ds(0, 16)] = e0 / tot
        vals_v[pl.ds(16, 16)] = e1 / tot
        pltpu.sync_copy(idxs_v, idx_hbm.at[r])
        pltpu.sync_copy(vals_v, w_hbm.at[r])


def _final(e, idx64):
    mesh = plsc.VectorSubcoreMesh(core_axis_name="c", subcore_axis_name="s",
                                  num_cores=2, num_subcores=16)
    fn = pl.kernel(
        _final_body,
        out_type=[
            jax.ShapeDtypeStruct((N_Q, K_TOP), jnp.int32),
            jax.ShapeDtypeStruct((N_Q, K_TOP), jnp.float32),
        ],
        mesh=mesh,
        scratch_types=[
            pltpu.VMEM((K_CAND,), jnp.float32),
            pltpu.VMEM((K_CAND,), jnp.int32),
            pltpu.VMEM((K_TOP,), jnp.float32),
            pltpu.VMEM((K_TOP,), jnp.int32),
        ],
        compiler_params=_sc_compiler_params(),
    )
    return fn(e, idx64)


def kernel(query, support, WQ, bQ, WK, bK):
    qa = query[:, 0, :]
    qb = query[:, 1, :]
    sa = support[:, 0, :]
    sb = support[:, 1, :]
    s, m2, qp, kp = _scores(qa, qb, sa, sb, WQ, bQ, WK, bK)
    idx64, g = _coarse_topk(s, m2, kp)
    qx = jnp.broadcast_to(qp[:, None, :], (N_Q, K_CAND, 2 * H))
    qx = qx.reshape(N_Q * K_CAND, 2 * H)
    e = _rescore(qx, g)
    idx, w = _final(e, idx64)
    return idx, w

# --- scband reference (transcript-rebuilt; emitter-appended) ---
"""Pipeline reference for scband-attention-retrieval-53094385713849 (READ-ONLY COPY).

The authoritative reference and input builder live on the scoring server;
editing this copy changes nothing except your own understanding.
"""

import jax, jax.numpy as jnp
import numpy as np
import math

K_TOP = 32
HIDDEN_DIM = 64

def setup_inputs(seed: int = 0) -> dict:
    key = jax.random.key(seed)
    ks = jax.random.split(key, 6)
    N_q, N_s, D, H = 64, 8192, 2, HIDDEN_DIM
    query = jax.random.normal(ks[0], (N_q, D, H), dtype=jnp.float32)
    support = jax.random.normal(ks[1], (N_s, D, H), dtype=jnp.float32)
    s = 1.0 / math.sqrt(H)
    WQ = jax.random.uniform(ks[2], (H, H), minval=-s, maxval=s, dtype=jnp.float32)
    bQ = jax.random.uniform(ks[3], (H,), minval=-s, maxval=s, dtype=jnp.float32)
    WK = jax.random.uniform(ks[4], (H, H), minval=-s, maxval=s, dtype=jnp.float32)
    bK = jax.random.uniform(ks[5], (H,), minval=-s, maxval=s, dtype=jnp.float32)
    return {"query": query, "support": support, "WQ": WQ, "bQ": bQ, "WK": WK, "bK": bK}

def reference(query, support, WQ, bQ, WK, bK):
    N_q, D, H = query.shape
    N_s = support.shape[0]
    # torch nn.Linear: y = x @ W.T + b
    q = (query @ WQ.T + bQ).reshape(N_q, -1)
    k = (support @ WK.T + bK).reshape(N_s, -1)
    q_exp = q[:, None, :]
    k_exp = k[None, :, :]
    similarity = -(jnp.linalg.norm(q_exp - k_exp, ord=2, axis=2)) ** 2
    similarity = similarity / math.sqrt(HIDDEN_DIM)
    topk_sim, topk_idx = jax.lax.top_k(similarity, K_TOP)
    weights = jax.nn.softmax(topk_sim, axis=1)
    return (topk_idx, weights)

if __name__ == "__main__":
    import jax
    _d = setup_inputs()
    print(jax.jit(kernel)(*tuple(_d.values())))

</pallas_src>

<mosaic_0001>
#map = affine_map<(d0, d1) -> (0, 0)>
module attributes {stable_mosaic.version = 14 : i64} {
  func.func @_final_body(%arg0: i32, %arg1: i32, %arg2: memref<64x48xf32, #tpu.memory_space<hbm>>, %arg3: memref<64x48xi32, #tpu.memory_space<hbm>>, %arg4: memref<64x32xi32, #tpu.memory_space<hbm>>, %arg5: memref<64x32xf32, #tpu.memory_space<hbm>>, %arg6: memref<48xf32, #tpu.memory_space<vmem>>, %arg7: memref<48xi32, #tpu.memory_space<vmem>>, %arg8: memref<32xf32, #tpu.memory_space<vmem>>, %arg9: memref<32xi32, #tpu.memory_space<vmem>>) attributes {dimension_semantics = [#tpu.dimension_semantics<core_parallel>, #tpu.dimension_semantics<subcore_parallel>], iteration_bounds = array<i64: 2, 16>, scalar_prefetch = 0 : i64, scratch_operands = 4 : i64, tpu.core_type = #tpu.core_type<sc_vector_subcore>, window_params = [{transform_indices = #map}, {transform_indices = #map}, {transform_indices = #map}, {transform_indices = #map}]} {
    %mul3A = arith.constant 2 : i32
    %mul3A_0 = arith.muli %arg1, %mul3A : i32
    %add3A = arith.addi %mul3A_0, %arg0 : i32
    %iota3A = tpu.iota {dimensions = array<i32: 0>} : vector<16xi32>
    %scan3A = arith.constant 0 : i32
    %scan3A_1 = arith.constant 2 : i32
    %scan3A_2 = arith.addi %scan3A, %scan3A_1 : i32
    %scan3A_3 = arith.constant 1 : i32
    scf.for %scan3A_5 = %scan3A to %scan3A_2 step %scan3A_3  : i32 {
      %mul3A_6 = arith.constant 1 : i32
      %mul3A_7 = arith.muli %scan3A_5, %mul3A_6 : i32
      %add3A_8 = arith.constant 0 : i32
      %add3A_9 = arith.addi %add3A_8, %mul3A_7 : i32
      %mul3A_10 = arith.constant 2 : i32
      %mul3A_11 = arith.muli %add3A, %mul3A_10 : i32
      %add3A_12 = arith.addi %mul3A_11, %add3A_9 : i32
      "tpu.region"() ({
        %run_scoped3A = tpu.sem_alloc : memref<!tpu.dma_semaphore, #tpu.memory_space<semaphore_mem>>
        %dma_start3A = arith.constant 0 : i32
        %dma_start3A_42 = tpu.memref_slice %arg2[%add3A_12, %dma_start3A] : memref<64x48xf32, #tpu.memory_space<hbm>> -> memref<1x48xf32, #tpu.memory_space<hbm>>
        %dma_start3A_43 = tpu.memref_squeeze %dma_start3A_42 : memref<1x48xf32, #tpu.memory_space<hbm>> -> memref<48xf32, #tpu.memory_space<hbm>>
        %dma_start3A_44 = arith.constant 0 : i32
        %dma_start3A_45 = tpu.memref_slice %arg2[%add3A_12, %dma_start3A_44] : memref<64x48xf32, #tpu.memory_space<hbm>> -> memref<1x48xf32, #tpu.memory_space<hbm>>
        %dma_start3A_46 = tpu.memref_squeeze %dma_start3A_45 : memref<1x48xf32, #tpu.memory_space<hbm>> -> memref<48xf32, #tpu.memory_space<hbm>>
        tpu.enqueue_dma source(%dma_start3A_46 : memref<48xf32, #tpu.memory_space<hbm>>) target(%arg6 : memref<48xf32, #tpu.memory_space<vmem>>) target_semaphore(%run_scoped3A : memref<!tpu.dma_semaphore, #tpu.memory_space<semaphore_mem>>)
        %dma_wait3A = arith.constant 0 : i32
        %dma_wait3A_47 = tpu.memref_slice %arg2[%add3A_12, %dma_wait3A] : memref<64x48xf32, #tpu.memory_space<hbm>> -> memref<1x48xf32, #tpu.memory_space<hbm>>
        %dma_wait3A_48 = tpu.memref_squeeze %dma_wait3A_47 : memref<1x48xf32, #tpu.memory_space<hbm>> -> memref<48xf32, #tpu.memory_space<hbm>>
        %dma_wait3A_49 = arith.constant 0 : i32
        %dma_wait3A_50 = tpu.memref_slice %arg2[%add3A_12, %dma_wait3A_49] : memref<64x48xf32, #tpu.memory_space<hbm>> -> memref<1x48xf32, #tpu.memory_space<hbm>>
        %dma_wait3A_51 = tpu.memref_squeeze %dma_wait3A_50 : memref<1x48xf32, #tpu.memory_space<hbm>> -> memref<48xf32, #tpu.memory_space<hbm>>
        tpu.wait_dma2 semaphore(%run_scoped3A : memref<!tpu.dma_semaphore, #tpu.memory_space<semaphore_mem>>) src(%dma_wait3A_51 : memref<48xf32, #tpu.memory_space<hbm>>) dst(%arg6 : memref<48xf32, #tpu.memory_space<vmem>>)
        tpu.yield
      }) : () -> ()
      "tpu.region"() ({
        %run_scoped3A = tpu.sem_alloc : memref<!tpu.dma_semaphore, #tpu.memory_space<semaphore_mem>>
        %dma_start3A = arith.constant 0 : i32
        %dma_start3A_42 = tpu.memref_slice %arg3[%add3A_12, %dma_start3A] : memref<64x48xi32, #tpu.memory_space<hbm>> -> memref<1x48xi32, #tpu.memory_space<hbm>>
        %dma_start3A_43 = tpu.memref_squeeze %dma_start3A_42 : memref<1x48xi32, #tpu.memory_space<hbm>> -> memref<48xi32, #tpu.memory_space<hbm>>
        %dma_start3A_44 = arith.constant 0 : i32
        %dma_start3A_45 = tpu.memref_slice %arg3[%add3A_12, %dma_start3A_44] : memref<64x48xi32, #tpu.memory_space<hbm>> -> memref<1x48xi32, #tpu.memory_space<hbm>>
        %dma_start3A_46 = tpu.memref_squeeze %dma_start3A_45 : memref<1x48xi32, #tpu.memory_space<hbm>> -> memref<48xi32, #tpu.memory_space<hbm>>
        tpu.enqueue_dma source(%dma_start3A_46 : memref<48xi32, #tpu.memory_space<hbm>>) target(%arg7 : memref<48xi32, #tpu.memory_space<vmem>>) target_semaphore(%run_scoped3A : memref<!tpu.dma_semaphore, #tpu.memory_space<semaphore_mem>>)
        %dma_wait3A = arith.constant 0 : i32
        %dma_wait3A_47 = tpu.memref_slice %arg3[%add3A_12, %dma_wait3A] : memref<64x48xi32, #tpu.memory_space<hbm>> -> memref<1x48xi32, #tpu.memory_space<hbm>>
        %dma_wait3A_48 = tpu.memref_squeeze %dma_wait3A_47 : memref<1x48xi32, #tpu.memory_space<hbm>> -> memref<48xi32, #tpu.memory_space<hbm>>
        %dma_wait3A_49 = arith.constant 0 : i32
        %dma_wait3A_50 = tpu.memref_slice %arg3[%add3A_12, %dma_wait3A_49] : memref<64x48xi32, #tpu.memory_space<hbm>> -> memref<1x48xi32, #tpu.memory_space<hbm>>
        %dma_wait3A_51 = tpu.memref_squeeze %dma_wait3A_50 : memref<1x48xi32, #tpu.memory_space<hbm>> -> memref<48xi32, #tpu.memory_space<hbm>>
        tpu.wait_dma2 semaphore(%run_scoped3A : memref<!tpu.dma_semaphore, #tpu.memory_space<semaphore_mem>>) src(%dma_wait3A_51 : memref<48xi32, #tpu.memory_space<hbm>>) dst(%arg7 : memref<48xi32, #tpu.memory_space<vmem>>)
        tpu.yield
      }) : () -> ()
      %scan3A_13 = arith.constant 0 : i32
      %scan3A_14 = arith.constant 32 : i32
      %scan3A_15 = arith.addi %scan3A_13, %scan3A_14 : i32
      %scan3A_16 = arith.constant 1 : i32
      scf.for %scan3A_42 = %scan3A_13 to %scan3A_15 step %scan3A_16  : i32 {
        %mul3A_43 = arith.constant 1 : i32
        %mul3A_44 = arith.muli %scan3A_42, %mul3A_43 : i32
        %add3A_45 = arith.constant 0 : i32
        %add3A_46 = arith.addi %add3A_45, %mul3A_44 : i32
        %get3A_47 = arith.constant 0 : index
        %get3A_48 = tpu.vector_load %arg6[%get3A_47] {strides = array<i32>} : memref<48xf32, #tpu.memory_space<vmem>>, vector<16xf32>,
        %get3A_49 = arith.constant 16 : index
        %get3A_50 = tpu.vector_load %arg6[%get3A_49] {strides = array<i32>} : memref<48xf32, #tpu.memory_space<vmem>>, vector<16xf32>,
        %get3A_51 = arith.constant 32 : index
        %get3A_52 = tpu.vector_load %arg6[%get3A_51] {strides = array<i32>} : memref<48xf32, #tpu.memory_space<vmem>>, vector<16xf32>,
        %get3A_53 = arith.constant 0 : index
        %get3A_54 = tpu.vector_load %arg7[%get3A_53] {strides = array<i32>} : memref<48xi32, #tpu.memory_space<vmem>>, vector<16xi32>,
        %get3A_55 = arith.constant 16 : index
        %get3A_56 = tpu.vector_load %arg7[%get3A_55] {strides = array<i32>} : memref<48xi32, #tpu.memory_space<vmem>>, vector<16xi32>,
        %get3A_57 = arith.constant 32 : index
        %get3A_58 = tpu.vector_load %arg7[%get3A_57] {strides = array<i32>} : memref<48xi32, #tpu.memory_space<vmem>>, vector<16xi32>,
        %max3A = arith.maximumf %get3A_48, %get3A_50 : vector<16xf32>
        %max3A_59 = arith.maximumf %max3A, %get3A_52 : vector<16xf32>
        %reduce_max3A_60 = arith.constant true
        %reduce_max3A_61 = vector.broadcast %reduce_max3A_60 : i1 to vector<16xi1>
        %reduce_max3A_62 = tpu.scan <max>, %max3A_59 masked %reduce_max3A_61 : vector<16xf32>, vector<16xi1> -> vector<16xf32>
        %reduce_max3A_63 = vector.extract %reduce_max3A_62[15] : f32 from vector<16xf32>
        %eq3A = vector.broadcast %reduce_max3A_63 : f32 to vector<16xf32>
        %eq3A_64 = arith.cmpf oeq, %get3A_48, %eq3A : vector<16xf32>
        %jit3A = arith.constant 1048576 : i32
        %broadcast_in_dim3A = vector.broadcast %jit3A : i32 to vector<16xi32>
        %select_n3A = arith.select %eq3A_64, %get3A_54, %broadcast_in_dim3A : vector<16xi1>, vector<16xi32>
        %reduce_min3A = arith.constant true
        %reduce_min3A_65 = vector.broadcast %reduce_min3A : i1 to vector<16xi1>
        %reduce_min3A_66 = arith.constant -2147483648 : i32
        %reduce_min3A_67 = vector.broadcast %reduce_min3A_66 : i32 to vector<16xi32>
        %reduce_min3A_68 = arith.xori %select_n3A, %reduce_min3A_67 : vector<16xi32>
        %reduce_min3A_69 = tpu.scan <min>, %reduce_min3A_68 masked %reduce_min3A_65 : vector<16xi32>, vector<16xi1> -> vector<16xi32>
        %reduce_min3A_70 = arith.xori %reduce_min3A_69, %reduce_min3A_67 : vector<16xi32>
        %reduce_min3A_71 = vector.extract %reduce_min3A_70[15] : i32 from vector<16xi32>
        %min3A = arith.constant 1048576 : i32
        %min3A_72 = arith.minsi %min3A, %reduce_min3A_71 : i32
        %eq3A_73 = vector.broadcast %reduce_max3A_63 : f32 to vector<16xf32>
        %eq3A_74 = arith.cmpf oeq, %get3A_50, %eq3A_73 : vector<16xf32>
        %jit3A_75 = arith.constant 1048576 : i32
        %broadcast_in_dim3A_76 = vector.broadcast %jit3A_75 : i32 to vector<16xi32>
        %select_n3A_77 = arith.select %eq3A_74, %get3A_56, %broadcast_in_dim3A_76 : vector<16xi1>, vector<16xi32>
        %reduce_min3A_78 = arith.constant true
        %reduce_min3A_79 = vector.broadcast %reduce_min3A_78 : i1 to vector<16xi1>
        %reduce_min3A_80 = arith.constant -2147483648 : i32
        %reduce_min3A_81 = vector.broadcast %reduce_min3A_80 : i32 to vector<16xi32>
        %reduce_min3A_82 = arith.xori %select_n3A_77, %reduce_min3A_81 : vector<16xi32>
        %reduce_min3A_83 = tpu.scan <min>, %reduce_min3A_82 masked %reduce_min3A_79 : vector<16xi32>, vector<16xi1> -> vector<16xi32>
        %reduce_min3A_84 = arith.xori %reduce_min3A_83, %reduce_min3A_81 : vector<16xi32>
        %reduce_min3A_85 = vector.extract %reduce_min3A_84[15] : i32 from vector<16xi32>
        %min3A_86 = arith.minsi %min3A_72, %reduce_min3A_85 : i32
        %eq3A_87 = vector.broadcast %reduce_max3A_63 : f32 to vector<16xf32>
        %eq3A_88 = arith.cmpf oeq, %get3A_52, %eq3A_87 : vector<16xf32>
        %jit3A_89 = arith.constant 1048576 : i32
        %broadcast_in_dim3A_90 = vector.broadcast %jit3A_89 : i32 to vector<16xi32>
        %select_n3A_91 = arith.select %eq3A_88, %get3A_58, %broadcast_in_dim3A_90 : vector<16xi1>, vector<16xi32>
        %reduce_min3A_92 = arith.constant true
        %reduce_min3A_93 = vector.broadcast %reduce_min3A_92 : i1 to vector<16xi1>
        %reduce_min3A_94 = arith.constant -2147483648 : i32
        %reduce_min3A_95 = vector.broadcast %reduce_min3A_94 : i32 to vector<16xi32>
        %reduce_min3A_96 = arith.xori %select_n3A_91, %reduce_min3A_95 : vector<16xi32>
        %reduce_min3A_97 = tpu.scan <min>, %reduce_min3A_96 masked %reduce_min3A_93 : vector<16xi32>, vector<16xi1> -> vector<16xi32>
        %reduce_min3A_98 = arith.xori %reduce_min3A_97, %reduce_min3A_95 : vector<16xi32>
        %reduce_min3A_99 = vector.extract %reduce_min3A_98[15] : i32 from vector<16xi32>
        %min3A_100 = arith.minsi %min3A_86, %reduce_min3A_99 : i32
        %eq3A_101 = vector.broadcast %reduce_max3A_63 : f32 to vector<16xf32>
        %eq3A_102 = arith.cmpf oeq, %get3A_48, %eq3A_101 : vector<16xf32>
        %eq3A_103 = vector.broadcast %min3A_100 : i32 to vector<16xi32>
        %eq3A_104 = arith.cmpi eq, %get3A_54, %eq3A_103 : vector<16xi32>
        %and3A = arith.andi %eq3A_102, %eq3A_104 : vector<16xi1>
        %jit3A_105 = arith.constant 0xFF800000 : f32
        %broadcast_in_dim3A_106 = vector.broadcast %jit3A_105 : f32 to vector<16xf32>
        %select_n3A_107 = arith.select %and3A, %broadcast_in_dim3A_106, %get3A_48 : vector<16xi1>, vector<16xf32>
        %swap3A_108 = arith.constant 0 : index
        %swap3A_109 = tpu.vector_load %arg6[%swap3A_108] {strides = array<i32>} : memref<48xf32, #tpu.memory_space<vmem>>, vector<16xf32>,
        tpu.vector_store %arg6[%swap3A_108], %select_n3A_107 {strides = array<i32>} : memref<48xf32, #tpu.memory_space<vmem>>, vector<16xf32>,
        %eq3A_110 = vector.broadcast %reduce_max3A_63 : f32 to vector<16xf32>
        %eq3A_111 = arith.cmpf oeq, %get3A_50, %eq3A_110 : vector<16xf32>
        %eq3A_112 = vector.broadcast %min3A_100 : i32 to vector<16xi32>
        %eq3A_113 = arith.cmpi eq, %get3A_56, %eq3A_112 : vector<16xi32>
        %and3A_114 = arith.andi %eq3A_111, %eq3A_113 : vector<16xi1>
        %jit3A_115 = arith.constant 0xFF800000 : f32
        %broadcast_in_dim3A_116 = vector.broadcast %jit3A_115 : f32 to vector<16xf32>
        %select_n3A_117 = arith.select %and3A_114, %broadcast_in_dim3A_116, %get3A_50 : vector<16xi1>, vector<16xf32>
        %swap3A_118 = arith.constant 16 : index
        %swap3A_119 = tpu.vector_load %arg6[%swap3A_118] {strides = array<i32>} : memref<48xf32, #tpu.memory_space<vmem>>, vector<16xf32>,
        tpu.vector_store %arg6[%swap3A_118], %select_n3A_117 {strides = array<i32>} : memref<48xf32, #tpu.memory_space<vmem>>, vector<16xf32>,
        %eq3A_120 = vector.broadcast %reduce_max3A_63 : f32 to vector<16xf32>
        %eq3A_121 = arith.cmpf oeq, %get3A_52, %eq3A_120 : vector<16xf32>
        %eq3A_122 = vector.broadcast %min3A_100 : i32 to vector<16xi32>
        %eq3A_123 = arith.cmpi eq, %get3A_58, %eq3A_122 : vector<16xi32>
        %and3A_124 = arith.andi %eq3A_121, %eq3A_123 : vector<16xi1>
        %jit3A_125 = arith.constant 0xFF800000 : f32
        %broadcast_in_dim3A_126 = vector.broadcast %jit3A_125 : f32 to vector<16xf32>
        %select_n3A_127 = arith.select %and3A_124, %broadcast_in_dim3A_126, %get3A_52 : vector<16xi1>, vector<16xf32>
        %swap3A_128 = arith.constant 32 : index
        %swap3A_129 = tpu.vector_load %arg6[%swap3A_128] {strides = array<i32>} : memref<48xf32, #tpu.memory_space<vmem>>, vector<16xf32>,
        tpu.vector_store %arg6[%swap3A_128], %select_n3A_127 {strides = array<i32>} : memref<48xf32, #tpu.memory_space<vmem>>, vector<16xf32>,
        %shift_right_arithmetic3A = arith.constant 4 : i32
        %shift_right_arithmetic3A_130 = arith.shrsi %add3A_46, %shift_right_arithmetic3A : i32
        %mul3A_131 = arith.constant 16 : i32
        %mul3A_132 = arith.muli %shift_right_arithmetic3A_130, %mul3A_131 : i32
        %get3A_133 = arith.index_cast %mul3A_132 : i32 to index
        %get3A_134 = tpu.vector_load %arg8[%get3A_133] {strides = array<i32>} : memref<32xf32, #tpu.memory_space<vmem>>, vector<16xf32>,
        %and3A_135 = arith.constant 15 : i32
        %and3A_136 = arith.andi %add3A_46, %and3A_135 : i32
        %eq3A_137 = vector.broadcast %and3A_136 : i32 to vector<16xi32>
        %eq3A_138 = arith.cmpi eq, %iota3A, %eq3A_137 : vector<16xi32>
        %broadcast_in_dim3A_139 = vector.broadcast %reduce_max3A_63 : f32 to vector<16xf32>
        %select_n3A_140 = arith.select %eq3A_138, %broadcast_in_dim3A_139, %get3A_134 : vector<16xi1>, vector<16xf32>
        %swap3A_141 = arith.index_cast %mul3A_132 : i32 to index
        %swap3A_142 = tpu.vector_load %arg8[%swap3A_141] {strides = array<i32>} : memref<32xf32, #tpu.memory_space<vmem>>, vector<16xf32>,
        tpu.vector_store %arg8[%swap3A_141], %select_n3A_140 {strides = array<i32>} : memref<32xf32, #tpu.memory_space<vmem>>, vector<16xf32>,
        %get3A_143 = arith.index_cast %mul3A_132 : i32 to index
        %get3A_144 = tpu.vector_load %arg9[%get3A_143] {strides = array<i32>} : memref<32xi32, #tpu.memory_space<vmem>>, vector<16xi32>,
        %and3A_145 = arith.constant 15 : i32
        %and3A_146 = arith.andi %add3A_46, %and3A_145 : i32
        %eq3A_147 = vector.broadcast %and3A_146 : i32 to vector<16xi32>
        %eq3A_148 = arith.cmpi eq, %iota3A, %eq3A_147 : vector<16xi32>
        %broadcast_in_dim3A_149 = vector.broadcast %min3A_100 : i32 to vector<16xi32>
        %select_n3A_150 = arith.select %eq3A_148, %broadcast_in_dim3A_149, %get3A_144 : vector<16xi1>, vector<16xi32>
        %swap3A_151 = arith.index_cast %mul3A_132 : i32 to index
        %swap3A_152 = tpu.vector_load %arg9[%swap3A_151] {strides = array<i32>} : memref<32xi32, #tpu.memory_space<vmem>>, vector<16xi32>,
        tpu.vector_store %arg9[%swap3A_151], %select_n3A_150 {strides = array<i32>} : memref<32xi32, #tpu.memory_space<vmem>>, vector<16xi32>,
      }
      %scan3A_17 = arith.constant 32 : i32
      %get3A = arith.constant 0 : index
      %get3A_18 = tpu.vector_load %arg8[%get3A] {strides = array<i32>} : memref<32xf32, #tpu.memory_space<vmem>>, vector<16xf32>,
      %get3A_19 = arith.constant 16 : index
      %get3A_20 = tpu.vector_load %arg8[%get3A_19] {strides = array<i32>} : memref<32xf32, #tpu.memory_space<vmem>>, vector<16xf32>,
      %reduce_max3A = arith.constant true
      %reduce_max3A_21 = vector.broadcast %reduce_max3A : i1 to vector<16xi1>
      %reduce_max3A_22 = tpu.scan <max>, %get3A_18 masked %reduce_max3A_21 : vector<16xf32>, vector<16xi1> -> vector<16xf32>
      %reduce_max3A_23 = vector.extract %reduce_max3A_22[15] : f32 from vector<16xf32>
      %sub3A = vector.broadcast %reduce_max3A_23 : f32 to vector<16xf32>
      %sub3A_24 = arith.subf %get3A_18, %sub3A : vector<16xf32>
      %exp3A = math.exp %sub3A_24 : vector<16xf32>
      %sub3A_25 = vector.broadcast %reduce_max3A_23 : f32 to vector<16xf32>
      %sub3A_26 = arith.subf %get3A_20, %sub3A_25 : vector<16xf32>
      %exp3A_27 = math.exp %sub3A_26 : vector<16xf32>
      %reduce_sum3A = arith.constant true
      %reduce_sum3A_28 = vector.broadcast %reduce_sum3A : i1 to vector<16xi1>
      %reduce_sum3A_29 = tpu.scan <sum>, %exp3A masked %reduce_sum3A_28 : vector<16xf32>, vector<16xi1> -> vector<16xf32>
      %reduce_sum3A_30 = vector.extract %reduce_sum3A_29[15] : f32 from vector<16xf32>
      %reduce_sum3A_31 = arith.constant true
      %reduce_sum3A_32 = vector.broadcast %reduce_sum3A_31 : i1 to vector<16xi1>
      %reduce_sum3A_33 = tpu.scan <sum>, %exp3A_27 masked %reduce_sum3A_32 : vector<16xf32>, vector<16xi1> -> vector<16xf32>
      %reduce_sum3A_34 = vector.extract %reduce_sum3A_33[15] : f32 from vector<16xf32>
      %add3A_35 = arith.addf %reduce_sum3A_30, %reduce_sum3A_34 : f32
      %div3A = vector.broadcast %add3A_35 : f32 to vector<16xf32>
      %div3A_36 = arith.divf %exp3A, %div3A : vector<16xf32>
      %swap3A = arith.constant 0 : index
      %swap3A_37 = tpu.vector_load %arg8[%swap3A] {strides = array<i32>} : memref<32xf32, #tpu.memory_space<vmem>>, vector<16xf32>,
      tpu.vector_store %arg8[%swap3A], %div3A_36 {strides = array<i32>} : memref<32xf32, #tpu.memory_space<vmem>>, vector<16xf32>,
      %div3A_38 = vector.broadcast %add3A_35 : f32 to vector<16xf32>
      %div3A_39 = arith.divf %exp3A_27, %div3A_38 : vector<16xf32>
      %swap3A_40 = arith.constant 16 : index
      %swap3A_41 = tpu.vector_load %arg8[%swap3A_40] {strides = array<i32>} : memref<32xf32, #tpu.memory_space<vmem>>, vector<16xf32>,
      tpu.vector_store %arg8[%swap3A_40], %div3A_39 {strides = array<i32>} : memref<32xf32, #tpu.memory_space<vmem>>, vector<16xf32>,
      "tpu.region"() ({
        %run_scoped3A = tpu.sem_alloc : memref<!tpu.dma_semaphore, #tpu.memory_space<semaphore_mem>>
        %dma_start3A = arith.constant 0 : i32
        %dma_start3A_42 = tpu.memref_slice %arg4[%add3A_12, %dma_start3A] : memref<64x32xi32, #tpu.memory_space<hbm>> -> memref<1x32xi32, #tpu.memory_space<hbm>>
        %dma_start3A_43 = tpu.memref_squeeze %dma_start3A_42 : memref<1x32xi32, #tpu.memory_space<hbm>> -> memref<32xi32, #tpu.memory_space<hbm>>
        %dma_start3A_44 = arith.constant 0 : i32
        %dma_start3A_45 = tpu.memref_slice %arg4[%add3A_12, %dma_start3A_44] : memref<64x32xi32, #tpu.memory_space<hbm>> -> memref<1x32xi32, #tpu.memory_space<hbm>>
        %dma_start3A_46 = tpu.memref_squeeze %dma_start3A_45 : memref<1x32xi32, #tpu.memory_space<hbm>> -> memref<32xi32, #tpu.memory_space<hbm>>
        tpu.enqueue_dma source(%arg9 : memref<32xi32, #tpu.memory_space<vmem>>) target(%dma_start3A_46 : memref<32xi32, #tpu.memory_space<hbm>>) target_semaphore(%run_scoped3A : memref<!tpu.dma_semaphore, #tpu.memory_space<semaphore_mem>>)
        %dma_wait3A = arith.constant 0 : i32
        %dma_wait3A_47 = tpu.memref_slice %arg4[%add3A_12, %dma_wait3A] : memref<64x32xi32, #tpu.memory_space<hbm>> -> memref<1x32xi32, #tpu.memory_space<hbm>>
        %dma_wait3A_48 = tpu.memref_squeeze %dma_wait3A_47 : memref<1x32xi32, #tpu.memory_space<hbm>> -> memref<32xi32, #tpu.memory_space<hbm>>
        %dma_wait3A_49 = arith.constant 0 : i32
        %dma_wait3A_50 = tpu.memref_slice %arg4[%add3A_12, %dma_wait3A_49] : memref<64x32xi32, #tpu.memory_space<hbm>> -> memref<1x32xi32, #tpu.memory_space<hbm>>
        %dma_wait3A_51 = tpu.memref_squeeze %dma_wait3A_50 : memref<1x32xi32, #tpu.memory_space<hbm>> -> memref<32xi32, #tpu.memory_space<hbm>>
        tpu.wait_dma2 semaphore(%run_scoped3A : memref<!tpu.dma_semaphore, #tpu.memory_space<semaphore_mem>>) src(%arg9 : memref<32xi32, #tpu.memory_space<vmem>>) dst(%dma_wait3A_51 : memref<32xi32, #tpu.memory_space<hbm>>)
        tpu.yield
      }) : () -> ()
      "tpu.region"() ({
        %run_scoped3A = tpu.sem_alloc : memref<!tpu.dma_semaphore, #tpu.memory_space<semaphore_mem>>
        %dma_start3A = arith.constant 0 : i32
        %dma_start3A_42 = tpu.memref_slice %arg5[%add3A_12, %dma_start3A] : memref<64x32xf32, #tpu.memory_space<hbm>> -> memref<1x32xf32, #tpu.memory_space<hbm>>
        %dma_start3A_43 = tpu.memref_squeeze %dma_start3A_42 : memref<1x32xf32, #tpu.memory_space<hbm>> -> memref<32xf32, #tpu.memory_space<hbm>>
        %dma_start3A_44 = arith.constant 0 : i32
        %dma_start3A_45 = tpu.memref_slice %arg5[%add3A_12, %dma_start3A_44] : memref<64x32xf32, #tpu.memory_space<hbm>> -> memref<1x32xf32, #tpu.memory_space<hbm>>
        %dma_start3A_46 = tpu.memref_squeeze %dma_start3A_45 : memref<1x32xf32, #tpu.memory_space<hbm>> -> memref<32xf32, #tpu.memory_space<hbm>>
        tpu.enqueue_dma source(%arg8 : memref<32xf32, #tpu.memory_space<vmem>>) target(%dma_start3A_46 : memref<32xf32, #tpu.memory_space<hbm>>) target_semaphore(%run_scoped3A : memref<!tpu.dma_semaphore, #tpu.memory_space<semaphore_mem>>)
        %dma_wait3A = arith.constant 0 : i32
        %dma_wait3A_47 = tpu.memref_slice %arg5[%add3A_12, %dma_wait3A] : memref<64x32xf32, #tpu.memory_space<hbm>> -> memref<1x32xf32, #tpu.memory_space<hbm>>
        %dma_wait3A_48 = tpu.memref_squeeze %dma_wait3A_47 : memref<1x32xf32, #tpu.memory_space<hbm>> -> memref<32xf32, #tpu.memory_space<hbm>>
        %dma_wait3A_49 = arith.constant 0 : i32
        %dma_wait3A_50 = tpu.memref_slice %arg5[%add3A_12, %dma_wait3A_49] : memref<64x32xf32, #tpu.memory_space<hbm>> -> memref<1x32xf32, #tpu.memory_space<hbm>>
        %dma_wait3A_51 = tpu.memref_squeeze %dma_wait3A_50 : memref<1x32xf32, #tpu.memory_space<hbm>> -> memref<32xf32, #tpu.memory_space<hbm>>
        tpu.wait_dma2 semaphore(%run_scoped3A : memref<!tpu.dma_semaphore, #tpu.memory_space<semaphore_mem>>) src(%arg8 : memref<32xf32, #tpu.memory_space<vmem>>) dst(%dma_wait3A_51 : memref<32xf32, #tpu.memory_space<hbm>>)
        tpu.yield
      }) : () -> ()
    }
    %scan3A_4 = arith.constant 2 : i32
    return
  }
}

#map = affine_map<(d0, d1) -> (0, 0)>
module attributes {stable_mosaic.version = 14 : i64} {
  func.func @_coarse_body(%arg0: i32, %arg1: i32, %arg2: memref<64x8192xf32, #tpu.memory_space<hbm>>, %arg3: memref<64x128xf32, #tpu.memory_space<hbm>>, %arg4: memref<8192x128xf32, #tpu.memory_space<hbm>>, %arg5: memref<64x48xi32, #tpu.memory_space<hbm>>, %arg6: memref<3072x128xf32, #tpu.memory_space<hbm>>, %arg7: memref<8192xf32, #tpu.memory_space<vmem>>, %arg8: memref<128xf32, #tpu.memory_space<vmem>>, %arg9: memref<48xi32, #tpu.memory_space<vmem>>, %arg10: memref<48x128xf32, #tpu.memory_space<vmem>>) attributes {dimension_semantics = [#tpu.dimension_semantics<core_parallel>, #tpu.dimension_semantics<subcore_parallel>], iteration_bounds = array<i64: 2, 16>, scalar_prefetch = 0 : i64, scratch_operands = 4 : i64, tpu.core_type = #tpu.core_type<sc_vector_subcore>, window_params = [{transform_indices = #map}, {transform_indices = #map}, {transform_indices = #map}, {transform_indices = #map}, {transform_indices = #map}]} {
    %mul3A = arith.constant 2 : i32
    %mul3A_0 = arith.muli %arg1, %mul3A : i32
    %add3A = arith.addi %mul3A_0, %arg0 : i32
    %iota3A = tpu.iota {dimensions = array<i32: 0>} : vector<16xi32>
    %scan3A = arith.constant 0 : i32
    %scan3A_1 = arith.constant 2 : i32
    %scan3A_2 = arith.addi %scan3A, %scan3A_1 : i32
    %scan3A_3 = arith.constant 1 : i32
    scf.for %scan3A_5 = %scan3A to %scan3A_2 step %scan3A_3  : i32 {
      %mul3A_6 = arith.constant 1 : i32
      %mul3A_7 = arith.muli %scan3A_5, %mul3A_6 : i32
      %add3A_8 = arith.constant 0 : i32
      %add3A_9 = arith.addi %add3A_8, %mul3A_7 : i32
      %mul3A_10 = arith.constant 2 : i32
      %mul3A_11 = arith.muli %add3A, %mul3A_10 : i32
      %add3A_12 = arith.addi %mul3A_11, %add3A_9 : i32
      "tpu.region"() ({
        %run_scoped3A = tpu.sem_alloc : memref<!tpu.dma_semaphore, #tpu.memory_space<semaphore_mem>>
        %dma_start3A = arith.constant 0 : i32
        %dma_start3A_20 = tpu.memref_slice %arg2[%add3A_12, %dma_start3A] : memref<64x8192xf32, #tpu.memory_space<hbm>> -> memref<1x8192xf32, #tpu.memory_space<hbm>>
        %dma_start3A_21 = tpu.memref_squeeze %dma_start3A_20 : memref<1x8192xf32, #tpu.memory_space<hbm>> -> memref<8192xf32, #tpu.memory_space<hbm>>
        %dma_start3A_22 = arith.constant 0 : i32
        %dma_start3A_23 = tpu.memref_slice %arg2[%add3A_12, %dma_start3A_22] : memref<64x8192xf32, #tpu.memory_space<hbm>> -> memref<1x8192xf32, #tpu.memory_space<hbm>>
        %dma_start3A_24 = tpu.memref_squeeze %dma_start3A_23 : memref<1x8192xf32, #tpu.memory_space<hbm>> -> memref<8192xf32, #tpu.memory_space<hbm>>
        tpu.enqueue_dma source(%dma_start3A_24 : memref<8192xf32, #tpu.memory_space<hbm>>) target(%arg7 : memref<8192xf32, #tpu.memory_space<vmem>>) target_semaphore(%run_scoped3A : memref<!tpu.dma_semaphore, #tpu.memory_space<semaphore_mem>>)
        %dma_wait3A = arith.constant 0 : i32
        %dma_wait3A_25 = tpu.memref_slice %arg2[%add3A_12, %dma_wait3A] : memref<64x8192xf32, #tpu.memory_space<hbm>> -> memref<1x8192xf32, #tpu.memory_space<hbm>>
        %dma_wait3A_26 = tpu.memref_squeeze %dma_wait3A_25 : memref<1x8192xf32, #tpu.memory_space<hbm>> -> memref<8192xf32, #tpu.memory_space<hbm>>
        %dma_wait3A_27 = arith.constant 0 : i32
        %dma_wait3A_28 = tpu.memref_slice %arg2[%add3A_12, %dma_wait3A_27] : memref<64x8192xf32, #tpu.memory_space<hbm>> -> memref<1x8192xf32, #tpu.memory_space<hbm>>
        %dma_wait3A_29 = tpu.memref_squeeze %dma_wait3A_28 : memref<1x8192xf32, #tpu.memory_space<hbm>> -> memref<8192xf32, #tpu.memory_space<hbm>>
        tpu.wait_dma2 semaphore(%run_scoped3A : memref<!tpu.dma_semaphore, #tpu.memory_space<semaphore_mem>>) src(%dma_wait3A_29 : memref<8192xf32, #tpu.memory_space<hbm>>) dst(%arg7 : memref<8192xf32, #tpu.memory_space<vmem>>)
        tpu.yield
      }) : () -> ()
      "tpu.region"() ({
        %run_scoped3A = tpu.sem_alloc : memref<!tpu.dma_semaphore, #tpu.memory_space<semaphore_mem>>
        %dma_start3A = arith.constant 0 : i32
        %dma_start3A_20 = tpu.memref_slice %arg3[%add3A_12, %dma_start3A] : memref<64x128xf32, #tpu.memory_space<hbm>> -> memref<1x128xf32, #tpu.memory_space<hbm>>
        %dma_start3A_21 = tpu.memref_squeeze %dma_start3A_20 : memref<1x128xf32, #tpu.memory_space<hbm>> -> memref<128xf32, #tpu.memory_space<hbm>>
        %dma_start3A_22 = arith.constant 0 : i32
        %dma_start3A_23 = tpu.memref_slice %arg3[%add3A_12, %dma_start3A_22] : memref<64x128xf32, #tpu.memory_space<hbm>> -> memref<1x128xf32, #tpu.memory_space<hbm>>
        %dma_start3A_24 = tpu.memref_squeeze %dma_start3A_23 : memref<1x128xf32, #tpu.memory_space<hbm>> -> memref<128xf32, #tpu.memory_space<hbm>>
        tpu.enqueue_dma source(%dma_start3A_24 : memref<128xf32, #tpu.memory_space<hbm>>) target(%arg8 : memref<128xf32, #tpu.memory_space<vmem>>) target_semaphore(%run_scoped3A : memref<!tpu.dma_semaphore, #tpu.memory_space<semaphore_mem>>)
        %dma_wait3A = arith.constant 0 : i32
        %dma_wait3A_25 = tpu.memref_slice %arg3[%add3A_12, %dma_wait3A] : memref<64x128xf32, #tpu.memory_space<hbm>> -> memref<1x128xf32, #tpu.memory_space<hbm>>
        %dma_wait3A_26 = tpu.memref_squeeze %dma_wait3A_25 : memref<1x128xf32, #tpu.memory_space<hbm>> -> memref<128xf32, #tpu.memory_space<hbm>>
        %dma_wait3A_27 = arith.constant 0 : i32
        %dma_wait3A_28 = tpu.memref_slice %arg3[%add3A_12, %dma_wait3A_27] : memref<64x128xf32, #tpu.memory_space<hbm>> -> memref<1x128xf32, #tpu.memory_space<hbm>>
        %dma_wait3A_29 = tpu.memref_squeeze %dma_wait3A_28 : memref<1x128xf32, #tpu.memory_space<hbm>> -> memref<128xf32, #tpu.memory_space<hbm>>
        tpu.wait_dma2 semaphore(%run_scoped3A : memref<!tpu.dma_semaphore, #tpu.memory_space<semaphore_mem>>) src(%dma_wait3A_29 : memref<128xf32, #tpu.memory_space<hbm>>) dst(%arg8 : memref<128xf32, #tpu.memory_space<vmem>>)
        tpu.yield
      }) : () -> ()
      %scan3A_13 = arith.constant 0 : i32
      %scan3A_14 = arith.constant 48 : i32
      %scan3A_15 = arith.addi %scan3A_13, %scan3A_14 : i32
      %scan3A_16 = arith.constant 1 : i32
      scf.for %scan3A_20 = %scan3A_13 to %scan3A_15 step %scan3A_16  : i32 {
        %mul3A_21 = arith.constant 1 : i32
        %mul3A_22 = arith.muli %scan3A_20, %mul3A_21 : i32
        %add3A_23 = arith.constant 0 : i32
        %add3A_24 = arith.addi %add3A_23, %mul3A_22 : i32
        %get3A = arith.constant 0 : index
        %get3A_25 = tpu.vector_load %arg8[%get3A] {strides = array<i32>} : memref<128xf32, #tpu.memory_space<vmem>>, vector<16xf32>,
        %get3A_26 = arith.constant 16 : index
        %get3A_27 = tpu.vector_load %arg8[%get3A_26] {strides = array<i32>} : memref<128xf32, #tpu.memory_space<vmem>>, vector<16xf32>,
        %get3A_28 = arith.constant 32 : index
        %get3A_29 = tpu.vector_load %arg8[%get3A_28] {strides = array<i32>} : memref<128xf32, #tpu.memory_space<vmem>>, vector<16xf32>,
        %get3A_30 = arith.constant 48 : index
        %get3A_31 = tpu.vector_load %arg8[%get3A_30] {strides = array<i32>} : memref<128xf32, #tpu.memory_space<vmem>>, vector<16xf32>,
        %get3A_32 = arith.constant 64 : index
        %get3A_33 = tpu.vector_load %arg8[%get3A_32] {strides = array<i32>} : memref<128xf32, #tpu.memory_space<vmem>>, vector<16xf32>,
        %get3A_34 = arith.constant 80 : index
        %get3A_35 = tpu.vector_load %arg8[%get3A_34] {strides = array<i32>} : memref<128xf32, #tpu.memory_space<vmem>>, vector<16xf32>,
        %get3A_36 = arith.constant 96 : index
        %get3A_37 = tpu.vector_load %arg8[%get3A_36] {strides = array<i32>} : memref<128xf32, #tpu.memory_space<vmem>>, vector<16xf32>,
        %get3A_38 = arith.constant 112 : index
        %get3A_39 = tpu.vector_load %arg8[%get3A_38] {strides = array<i32>} : memref<128xf32, #tpu.memory_space<vmem>>, vector<16xf32>,
        %max3A = arith.maximumf %get3A_25, %get3A_27 : vector<16xf32>
        %max3A_40 = arith.maximumf %max3A, %get3A_29 : vector<16xf32>
        %max3A_41 = arith.maximumf %max3A_40, %get3A_31 : vector<16xf32>
        %max3A_42 = arith.maximumf %max3A_41, %get3A_33 : vector<16xf32>
        %max3A_43 = arith.maximumf %max3A_42, %get3A_35 : vector<16xf32>
        %max3A_44 = arith.maximumf %max3A_43, %get3A_37 : vector<16xf32>
        %max3A_45 = arith.maximumf %max3A_44, %get3A_39 : vector<16xf32>
        %reduce_max3A = arith.constant true
        %reduce_max3A_46 = vector.broadcast %reduce_max3A : i1 to vector<16xi1>
        %reduce_max3A_47 = tpu.scan <max>, %max3A_45 masked %reduce_max3A_46 : vector<16xf32>, vector<16xi1> -> vector<16xf32>
        %reduce_max3A_48 = vector.extract %reduce_max3A_47[15] : f32 from vector<16xf32>
        %eq3A = vector.broadcast %reduce_max3A_48 : f32 to vector<16xf32>
        %eq3A_49 = arith.cmpf oeq, %get3A_25, %eq3A : vector<16xf32>
        %add3A_50 = arith.constant 0 : i32
        %add3A_51 = vector.broadcast %add3A_50 : i32 to vector<16xi32>
        %add3A_52 = arith.addi %iota3A, %add3A_51 : vector<16xi32>
        %jit3A = arith.constant 1048576 : i32
        %broadcast_in_dim3A = vector.broadcast %jit3A : i32 to vector<16xi32>
        %select_n3A = arith.select %eq3A_49, %add3A_52, %broadcast_in_dim3A : vector<16xi1>, vector<16xi32>
        %reduce_min3A = arith.constant true
        %reduce_min3A_53 = vector.broadcast %reduce_min3A : i1 to vector<16xi1>
        %reduce_min3A_54 = arith.constant -2147483648 : i32
        %reduce_min3A_55 = vector.broadcast %reduce_min3A_54 : i32 to vector<16xi32>
        %reduce_min3A_56 = arith.xori %select_n3A, %reduce_min3A_55 : vector<16xi32>
        %reduce_min3A_57 = tpu.scan <min>, %reduce_min3A_56 masked %reduce_min3A_53 : vector<16xi32>, vector<16xi1> -> vector<16xi32>
        %reduce_min3A_58 = arith.xori %reduce_min3A_57, %reduce_min3A_55 : vector<16xi32>
        %reduce_min3A_59 = vector.extract %reduce_min3A_58[15] : i32 from vector<16xi32>
        %min3A = arith.constant 1048576 : i32
        %min3A_60 = arith.minsi %min3A, %reduce_min3A_59 : i32
        %eq3A_61 = vector.broadcast %reduce_max3A_48 : f32 to vector<16xf32>
        %eq3A_62 = arith.cmpf oeq, %get3A_27, %eq3A_61 : vector<16xf32>
        %add3A_63 = arith.constant 16 : i32
        %add3A_64 = vector.broadcast %add3A_63 : i32 to vector<16xi32>
        %add3A_65 = arith.addi %iota3A, %add3A_64 : vector<16xi32>
        %jit3A_66 = arith.constant 1048576 : i32
        %broadcast_in_dim3A_67 = vector.broadcast %jit3A_66 : i32 to vector<16xi32>
        %select_n3A_68 = arith.select %eq3A_62, %add3A_65, %broadcast_in_dim3A_67 : vector<16xi1>, vector<16xi32>
        %reduce_min3A_69 = arith.constant true
        %reduce_min3A_70 = vector.broadcast %reduce_min3A_69 : i1 to vector<16xi1>
        %reduce_min3A_71 = arith.constant -2147483648 : i32
        %reduce_min3A_72 = vector.broadcast %reduce_min3A_71 : i32 to vector<16xi32>
        %reduce_min3A_73 = arith.xori %select_n3A_68, %reduce_min3A_72 : vector<16xi32>
        %reduce_min3A_74 = tpu.scan <min>, %reduce_min3A_73 masked %reduce_min3A_70 : vector<16xi32>, vector<16xi1> -> vector<16xi32>
        %reduce_min3A_75 = arith.xori %reduce_min3A_74, %reduce_min3A_72 : vector<16xi32>
        %reduce_min3A_76 = vector.extract %reduce_min3A_75[15] : i32 from vector<16xi32>
        %min3A_77 = arith.minsi %min3A_60, %reduce_min3A_76 : i32
        %eq3A_78 = vector.broadcast %reduce_max3A_48 : f32 to vector<16xf32>
        %eq3A_79 = arith.cmpf oeq, %get3A_29, %eq3A_78 : vector<16xf32>
        %add3A_80 = arith.constant 32 : i32
        %add3A_81 = vector.broadcast %add3A_80 : i32 to vector<16xi32>
        %add3A_82 = arith.addi %iota3A, %add3A_81 : vector<16xi32>
        %jit3A_83 = arith.constant 1048576 : i32
        %broadcast_in_dim3A_84 = vector.broadcast %jit3A_83 : i32 to vector<16xi32>
        %select_n3A_85 = arith.select %eq3A_79, %add3A_82, %broadcast_in_dim3A_84 : vector<16xi1>, vector<16xi32>
        %reduce_min3A_86 = arith.constant true
        %reduce_min3A_87 = vector.broadcast %reduce_min3A_86 : i1 to vector<16xi1>
        %reduce_min3A_88 = arith.constant -2147483648 : i32
        %reduce_min3A_89 = vector.broadcast %reduce_min3A_88 : i32 to vector<16xi32>
        %reduce_min3A_90 = arith.xori %select_n3A_85, %reduce_min3A_89 : vector<16xi32>
        %reduce_min3A_91 = tpu.scan <min>, %reduce_min3A_90 masked %reduce_min3A_87 : vector<16xi32>, vector<16xi1> -> vector<16xi32>
        %reduce_min3A_92 = arith.xori %reduce_min3A_91, %reduce_min3A_89 : vector<16xi32>
        %reduce_min3A_93 = vector.extract %reduce_min3A_92[15] : i32 from vector<16xi32>
        %min3A_94 = arith.minsi %min3A_77, %reduce_min3A_93 : i32
        %eq3A_95 = vector.broadcast %reduce_max3A_48 : f32 to vector<16xf32>
        %eq3A_96 = arith.cmpf oeq, %get3A_31, %eq3A_95 : vector<16xf32>
        %add3A_97 = arith.constant 48 : i32
        %add3A_98 = vector.broadcast %add3A_97 : i32 to vector<16xi32>
        %add3A_99 = arith.addi %iota3A, %add3A_98 : vector<16xi32>
        %jit3A_100 = arith.constant 1048576 : i32
        %broadcast_in_dim3A_101 = vector.broadcast %jit3A_100 : i32 to vector<16xi32>
        %select_n3A_102 = arith.select %eq3A_96, %add3A_99, %broadcast_in_dim3A_101 : vector<16xi1>, vector<16xi32>
        %reduce_min3A_103 = arith.constant true
        %reduce_min3A_104 = vector.broadcast %reduce_min3A_103 : i1 to vector<16xi1>
        %reduce_min3A_105 = arith.constant -2147483648 : i32
        %reduce_min3A_106 = vector.broadcast %reduce_min3A_105 : i32 to vector<16xi32>
        %reduce_min3A_107 = arith.xori %select_n3A_102, %reduce_min3A_106 : vector<16xi32>
        %reduce_min3A_108 = tpu.scan <min>, %reduce_min3A_107 masked %reduce_min3A_104 : vector<16xi32>, vector<16xi1> -> vector<16xi32>
        %reduce_min3A_109 = arith.xori %reduce_min3A_108, %reduce_min3A_106 : vector<16xi32>
        %reduce_min3A_110 = vector.extract %reduce_min3A_109[15] : i32 from vector<16xi32>
        %min3A_111 = arith.minsi %min3A_94, %reduce_min3A_110 : i32
        %eq3A_112 = vector.broadcast %reduce_max3A_48 : f32 to vector<16xf32>
        %eq3A_113 = arith.cmpf oeq, %get3A_33, %eq3A_112 : vector<16xf32>
        %add3A_114 = arith.constant 64 : i32
        %add3A_115 = vector.broadcast %add3A_114 : i32 to vector<16xi32>
        %add3A_116 = arith.addi %iota3A, %add3A_115 : vector<16xi32>
        %jit3A_117 = arith.constant 1048576 : i32
        %broadcast_in_dim3A_118 = vector.broadcast %jit3A_117 : i32 to vector<16xi32>
        %select_n3A_119 = arith.select %eq3A_113, %add3A_116, %broadcast_in_dim3A_118 : vector<16xi1>, vector<16xi32>
        %reduce_min3A_120 = arith.constant true
        %reduce_min3A_121 = vector.broadcast %reduce_min3A_120 : i1 to vector<16xi1>
        %reduce_min3A_122 = arith.constant -2147483648 : i32
        %reduce_min3A_123 = vector.broadcast %reduce_min3A_122 : i32 to vector<16xi32>
        %reduce_min3A_124 = arith.xori %select_n3A_119, %reduce_min3A_123 : vector<16xi32>
        %reduce_min3A_125 = tpu.scan <min>, %reduce_min3A_124 masked %reduce_min3A_121 : vector<16xi32>, vector<16xi1> -> vector<16xi32>
        %reduce_min3A_126 = arith.xori %reduce_min3A_125, %reduce_min3A_123 : vector<16xi32>
        %reduce_min3A_127 = vector.extract %reduce_min3A_126[15] : i32 from vector<16xi32>
        %min3A_128 = arith.minsi %min3A_111, %reduce_min3A_127 : i32
        %eq3A_129 = vector.broadcast %reduce_max3A_48 : f32 to vector<16xf32>
        %eq3A_130 = arith.cmpf oeq, %get3A_35, %eq3A_129 : vector<16xf32>
        %add3A_131 = arith.constant 80 : i32
        %add3A_132 = vector.broadcast %add3A_131 : i32 to vector<16xi32>
        %add3A_133 = arith.addi %iota3A, %add3A_132 : vector<16xi32>
        %jit3A_134 = arith.constant 1048576 : i32
        %broadcast_in_dim3A_135 = vector.broadcast %jit3A_134 : i32 to vector<16xi32>
        %select_n3A_136 = arith.select %eq3A_130, %add3A_133, %broadcast_in_dim3A_135 : vector<16xi1>, vector<16xi32>
        %reduce_min3A_137 = arith.constant true
        %reduce_min3A_138 = vector.broadcast %reduce_min3A_137 : i1 to vector<16xi1>
        %reduce_min3A_139 = arith.constant -2147483648 : i32
        %reduce_min3A_140 = vector.broadcast %reduce_min3A_139 : i32 to vector<16xi32>
        %reduce_min3A_141 = arith.xori %select_n3A_136, %reduce_min3A_140 : vector<16xi32>
        %reduce_min3A_142 = tpu.scan <min>, %reduce_min3A_141 masked %reduce_min3A_138 : vector<16xi32>, vector<16xi1> -> vector<16xi32>
        %reduce_min3A_143 = arith.xori %reduce_min3A_142, %reduce_min3A_140 : vector<16xi32>
        %reduce_min3A_144 = vector.extract %reduce_min3A_143[15] : i32 from vector<16xi32>
        %min3A_145 = arith.minsi %min3A_128, %reduce_min3A_144 : i32
        %eq3A_146 = vector.broadcast %reduce_max3A_48 : f32 to vector<16xf32>
        %eq3A_147 = arith.cmpf oeq, %get3A_37, %eq3A_146 : vector<16xf32>
        %add3A_148 = arith.constant 96 : i32
        %add3A_149 = vector.broadcast %add3A_148 : i32 to vector<16xi32>
        %add3A_150 = arith.addi %iota3A, %add3A_149 : vector<16xi32>
        %jit3A_151 = arith.constant 1048576 : i32
        %broadcast_in_dim3A_152 = vector.broadcast %jit3A_151 : i32 to vector<16xi32>
        %select_n3A_153 = arith.select %eq3A_147, %add3A_150, %broadcast_in_dim3A_152 : vector<16xi1>, vector<16xi32>
        %reduce_min3A_154 = arith.constant true
        %reduce_min3A_155 = vector.broadcast %reduce_min3A_154 : i1 to vector<16xi1>
        %reduce_min3A_156 = arith.constant -2147483648 : i32
        %reduce_min3A_157 = vector.broadcast %reduce_min3A_156 : i32 to vector<16xi32>
        %reduce_min3A_158 = arith.xori %select_n3A_153, %reduce_min3A_157 : vector<16xi32>
        %reduce_min3A_159 = tpu.scan <min>, %reduce_min3A_158 masked %reduce_min3A_155 : vector<16xi32>, vector<16xi1> -> vector<16xi32>
        %reduce_min3A_160 = arith.xori %reduce_min3A_159, %reduce_min3A_157 : vector<16xi32>
        %reduce_min3A_161 = vector.extract %reduce_min3A_160[15] : i32 from vector<16xi32>
        %min3A_162 = arith.minsi %min3A_145, %reduce_min3A_161 : i32
        %eq3A_163 = vector.broadcast %reduce_max3A_48 : f32 to vector<16xf32>
        %eq3A_164 = arith.cmpf oeq, %get3A_39, %eq3A_163 : vector<16xf32>
        %add3A_165 = arith.constant 112 : i32
        %add3A_166 = vector.broadcast %add3A_165 : i32 to vector<16xi32>
        %add3A_167 = arith.addi %iota3A, %add3A_166 : vector<16xi32>
        %jit3A_168 = arith.constant 1048576 : i32
        %broadcast_in_dim3A_169 = vector.broadcast %jit3A_168 : i32 to vector<16xi32>
        %select_n3A_170 = arith.select %eq3A_164, %add3A_167, %broadcast_in_dim3A_169 : vector<16xi1>, vector<16xi32>
        %reduce_min3A_171 = arith.constant true
        %reduce_min3A_172 = vector.broadcast %reduce_min3A_171 : i1 to vector<16xi1>
        %reduce_min3A_173 = arith.constant -2147483648 : i32
        %reduce_min3A_174 = vector.broadcast %reduce_min3A_173 : i32 to vector<16xi32>
        %reduce_min3A_175 = arith.xori %select_n3A_170, %reduce_min3A_174 : vector<16xi32>
        %reduce_min3A_176 = tpu.scan <min>, %reduce_min3A_175 masked %reduce_min3A_172 : vector<16xi32>, vector<16xi1> -> vector<16xi32>
        %reduce_min3A_177 = arith.xori %reduce_min3A_176, %reduce_min3A_174 : vector<16xi32>
        %reduce_min3A_178 = vector.extract %reduce_min3A_177[15] : i32 from vector<16xi32>
        %min3A_179 = arith.minsi %min3A_162, %reduce_min3A_178 : i32
        %mul3A_180 = arith.constant 64 : i32
        %mul3A_181 = arith.muli %min3A_179, %mul3A_180 : i32
        %add3A_182 = arith.constant 0 : i32
        %add3A_183 = arith.addi %mul3A_181, %add3A_182 : i32
        %get3A_184 = arith.index_cast %add3A_183 : i32 to index
        %get3A_185 = tpu.vector_load %arg7[%get3A_184] {strides = array<i32>} : memref<8192xf32, #tpu.memory_space<vmem>>, vector<16xf32>,
        %eq3A_186 = vector.broadcast %reduce_max3A_48 : f32 to vector<16xf32>
        %eq3A_187 = arith.cmpf oeq, %get3A_185, %eq3A_186 : vector<16xf32>
        %add3A_188 = arith.constant 0 : i32
        %add3A_189 = vector.broadcast %add3A_188 : i32 to vector<16xi32>
        %add3A_190 = arith.addi %iota3A, %add3A_189 : vector<16xi32>
        %jit3A_191 = arith.constant 1048576 : i32
        %broadcast_in_dim3A_192 = vector.broadcast %jit3A_191 : i32 to vector<16xi32>
        %select_n3A_193 = arith.select %eq3A_187, %add3A_190, %broadcast_in_dim3A_192 : vector<16xi1>, vector<16xi32>
        %reduce_min3A_194 = arith.constant true
        %reduce_min3A_195 = vector.broadcast %reduce_min3A_194 : i1 to vector<16xi1>
        %reduce_min3A_196 = arith.constant -2147483648 : i32
        %reduce_min3A_197 = vector.broadcast %reduce_min3A_196 : i32 to vector<16xi32>
        %reduce_min3A_198 = arith.xori %select_n3A_193, %reduce_min3A_197 : vector<16xi32>
        %reduce_min3A_199 = tpu.scan <min>, %reduce_min3A_198 masked %reduce_min3A_195 : vector<16xi32>, vector<16xi1> -> vector<16xi32>
        %reduce_min3A_200 = arith.xori %reduce_min3A_199, %reduce_min3A_197 : vector<16xi32>
        %reduce_min3A_201 = vector.extract %reduce_min3A_200[15] : i32 from vector<16xi32>
        %min3A_202 = arith.constant 1048576 : i32
        %min3A_203 = arith.minsi %min3A_202, %reduce_min3A_201 : i32
        %add3A_204 = arith.constant 16 : i32
        %add3A_205 = arith.addi %mul3A_181, %add3A_204 : i32
        %get3A_206 = arith.index_cast %add3A_205 : i32 to index
        %get3A_207 = tpu.vector_load %arg7[%get3A_206] {strides = array<i32>} : memref<8192xf32, #tpu.memory_space<vmem>>, vector<16xf32>,
        %eq3A_208 = vector.broadcast %reduce_max3A_48 : f32 to vector<16xf32>
        %eq3A_209 = arith.cmpf oeq, %get3A_207, %eq3A_208 : vector<16xf32>
        %add3A_210 = arith.constant 16 : i32
        %add3A_211 = vector.broadcast %add3A_210 : i32 to vector<16xi32>
        %add3A_212 = arith.addi %iota3A, %add3A_211 : vector<16xi32>
        %jit3A_213 = arith.constant 1048576 : i32
        %broadcast_in_dim3A_214 = vector.broadcast %jit3A_213 : i32 to vector<16xi32>
        %select_n3A_215 = arith.select %eq3A_209, %add3A_212, %broadcast_in_dim3A_214 : vector<16xi1>, vector<16xi32>
        %reduce_min3A_216 = arith.constant true
        %reduce_min3A_217 = vector.broadcast %reduce_min3A_216 : i1 to vector<16xi1>
        %reduce_min3A_218 = arith.constant -2147483648 : i32
        %reduce_min3A_219 = vector.broadcast %reduce_min3A_218 : i32 to vector<16xi32>
        %reduce_min3A_220 = arith.xori %select_n3A_215, %reduce_min3A_219 : vector<16xi32>
        %reduce_min3A_221 = tpu.scan <min>, %reduce_min3A_220 masked %reduce_min3A_217 : vector<16xi32>, vector<16xi1> -> vector<16xi32>
        %reduce_min3A_222 = arith.xori %reduce_min3A_221, %reduce_min3A_219 : vector<16xi32>
        %reduce_min3A_223 = vector.extract %reduce_min3A_222[15] : i32 from vector<16xi32>
        %min3A_224 = arith.minsi %min3A_203, %reduce_min3A_223 : i32
        %add3A_225 = arith.constant 32 : i32
        %add3A_226 = arith.addi %mul3A_181, %add3A_225 : i32
        %get3A_227 = arith.index_cast %add3A_226 : i32 to index
        %get3A_228 = tpu.vector_load %arg7[%get3A_227] {strides = array<i32>} : memref<8192xf32, #tpu.memory_space<vmem>>, vector<16xf32>,
        %eq3A_229 = vector.broadcast %reduce_max3A_48 : f32 to vector<16xf32>
        %eq3A_230 = arith.cmpf oeq, %get3A_228, %eq3A_229 : vector<16xf32>
        %add3A_231 = arith.constant 32 : i32
        %add3A_232 = vector.broadcast %add3A_231 : i32 to vector<16xi32>
        %add3A_233 = arith.addi %iota3A, %add3A_232 : vector<16xi32>
        %jit3A_234 = arith.constant 1048576 : i32
        %broadcast_in_dim3A_235 = vector.broadcast %jit3A_234 : i32 to vector<16xi32>
        %select_n3A_236 = arith.select %eq3A_230, %add3A_233, %broadcast_in_dim3A_235 : vector<16xi1>, vector<16xi32>
        %reduce_min3A_237 = arith.constant true
        %reduce_min3A_238 = vector.broadcast %reduce_min3A_237 : i1 to vector<16xi1>
        %reduce_min3A_239 = arith.constant -2147483648 : i32
        %reduce_min3A_240 = vector.broadcast %reduce_min3A_239 : i32 to vector<16xi32>
        %reduce_min3A_241 = arith.xori %select_n3A_236, %reduce_min3A_240 : vector<16xi32>
        %reduce_min3A_242 = tpu.scan <min>, %reduce_min3A_241 masked %reduce_min3A_238 : vector<16xi32>, vector<16xi1> -> vector<16xi32>
        %reduce_min3A_243 = arith.xori %reduce_min3A_242, %reduce_min3A_240 : vector<16xi32>
        %reduce_min3A_244 = vector.extract %reduce_min3A_243[15] : i32 from vector<16xi32>
        %min3A_245 = arith.minsi %min3A_224, %reduce_min3A_244 : i32
        %add3A_246 = arith.constant 48 : i32
        %add3A_247 = arith.addi %mul3A_181, %add3A_246 : i32
        %get3A_248 = arith.index_cast %add3A_247 : i32 to index
        %get3A_249 = tpu.vector_load %arg7[%get3A_248] {strides = array<i32>} : memref<8192xf32, #tpu.memory_space<vmem>>, vector<16xf32>,
        %eq3A_250 = vector.broadcast %reduce_max3A_48 : f32 to vector<16xf32>
        %eq3A_251 = arith.cmpf oeq, %get3A_249, %eq3A_250 : vector<16xf32>
        %add3A_252 = arith.constant 48 : i32
        %add3A_253 = vector.broadcast %add3A_252 : i32 to vector<16xi32>
        %add3A_254 = arith.addi %iota3A, %add3A_253 : vector<16xi32>
        %jit3A_255 = arith.constant 1048576 : i32
        %broadcast_in_dim3A_256 = vector.broadcast %jit3A_255 : i32 to vector<16xi32>
        %select_n3A_257 = arith.select %eq3A_251, %add3A_254, %broadcast_in_dim3A_256 : vector<16xi1>, vector<16xi32>
        %reduce_min3A_258 = arith.constant true
        %reduce_min3A_259 = vector.broadcast %reduce_min3A_258 : i1 to vector<16xi1>
        %reduce_min3A_260 = arith.constant -2147483648 : i32
        %reduce_min3A_261 = vector.broadcast %reduce_min3A_260 : i32 to vector<16xi32>
        %reduce_min3A_262 = arith.xori %select_n3A_257, %reduce_min3A_261 : vector<16xi32>
        %reduce_min3A_263 = tpu.scan <min>, %reduce_min3A_262 masked %reduce_min3A_259 : vector<16xi32>, vector<16xi1> -> vector<16xi32>
        %reduce_min3A_264 = arith.xori %reduce_min3A_263, %reduce_min3A_261 : vector<16xi32>
        %reduce_min3A_265 = vector.extract %reduce_min3A_264[15] : i32 from vector<16xi32>
        %min3A_266 = arith.minsi %min3A_245, %reduce_min3A_265 : i32
        %add3A_267 = arith.addi %mul3A_181, %min3A_266 : i32
        %shift_right_arithmetic3A = arith.constant 4 : i32
        %shift_right_arithmetic3A_268 = arith.shrsi %min3A_266, %shift_right_arithmetic3A : i32
        %mul3A_269 = arith.constant 16 : i32
        %mul3A_270 = arith.muli %shift_right_arithmetic3A_268, %mul3A_269 : i32
        %add3A_271 = arith.addi %mul3A_181, %mul3A_270 : i32
        %get3A_272 = arith.index_cast %add3A_271 : i32 to index
        %get3A_273 = tpu.vector_load %arg7[%get3A_272] {strides = array<i32>} : memref<8192xf32, #tpu.memory_space<vmem>>, vector<16xf32>,
        %and3A = arith.constant 15 : i32
        %and3A_274 = arith.andi %min3A_266, %and3A : i32
        %eq3A_275 = vector.broadcast %and3A_274 : i32 to vector<16xi32>
        %eq3A_276 = arith.cmpi eq, %iota3A, %eq3A_275 : vector<16xi32>
        %jit3A_277 = arith.constant 0xFF800000 : f32
        %broadcast_in_dim3A_278 = vector.broadcast %jit3A_277 : f32 to vector<16xf32>
        %select_n3A_279 = arith.select %eq3A_276, %broadcast_in_dim3A_278, %get3A_273 : vector<16xi1>, vector<16xf32>
        %swap3A = arith.index_cast %add3A_271 : i32 to index
        %swap3A_280 = tpu.vector_load %arg7[%swap3A] {strides = array<i32>} : memref<8192xf32, #tpu.memory_space<vmem>>, vector<16xf32>,
        tpu.vector_store %arg7[%swap3A], %select_n3A_279 {strides = array<i32>} : memref<8192xf32, #tpu.memory_space<vmem>>, vector<16xf32>,
        %get3A_281 = arith.index_cast %mul3A_181 : i32 to index
        %get3A_282 = tpu.vector_load %arg7[%get3A_281] {strides = array<i32>} : memref<8192xf32, #tpu.memory_space<vmem>>, vector<16xf32>,
        %add3A_283 = arith.constant 16 : i32
        %add3A_284 = arith.addi %mul3A_181, %add3A_283 : i32
        %get3A_285 = arith.index_cast %add3A_284 : i32 to index
        %get3A_286 = tpu.vector_load %arg7[%get3A_285] {strides = array<i32>} : memref<8192xf32, #tpu.memory_space<vmem>>, vector<16xf32>,
        %max3A_287 = arith.maximumf %get3A_282, %get3A_286 : vector<16xf32>
        %add3A_288 = arith.constant 32 : i32
        %add3A_289 = arith.addi %mul3A_181, %add3A_288 : i32
        %get3A_290 = arith.index_cast %add3A_289 : i32 to index
        %get3A_291 = tpu.vector_load %arg7[%get3A_290] {strides = array<i32>} : memref<8192xf32, #tpu.memory_space<vmem>>, vector<16xf32>,
        %max3A_292 = arith.maximumf %max3A_287, %get3A_291 : vector<16xf32>
        %add3A_293 = arith.constant 48 : i32
        %add3A_294 = arith.addi %mul3A_181, %add3A_293 : i32
        %get3A_295 = arith.index_cast %add3A_294 : i32 to index
        %get3A_296 = tpu.vector_load %arg7[%get3A_295] {strides = array<i32>} : memref<8192xf32, #tpu.memory_space<vmem>>, vector<16xf32>,
        %max3A_297 = arith.maximumf %max3A_292, %get3A_296 : vector<16xf32>
        %reduce_max3A_298 = arith.constant true
        %reduce_max3A_299 = vector.broadcast %reduce_max3A_298 : i1 to vector<16xi1>
        %reduce_max3A_300 = tpu.scan <max>, %max3A_297 masked %reduce_max3A_299 : vector<16xf32>, vector<16xi1> -> vector<16xf32>
        %reduce_max3A_301 = vector.extract %reduce_max3A_300[15] : f32 from vector<16xf32>
        %shift_right_arithmetic3A_302 = arith.constant 4 : i32
        %shift_right_arithmetic3A_303 = arith.shrsi %min3A_179, %shift_right_arithmetic3A_302 : i32
        %mul3A_304 = arith.constant 16 : i32
        %mul3A_305 = arith.muli %shift_right_arithmetic3A_303, %mul3A_304 : i32
        %get3A_306 = arith.index_cast %mul3A_305 : i32 to index
        %get3A_307 = tpu.vector_load %arg8[%get3A_306] {strides = array<i32>} : memref<128xf32, #tpu.memory_space<vmem>>, vector<16xf32>,
        %and3A_308 = arith.constant 15 : i32
        %and3A_309 = arith.andi %min3A_179, %and3A_308 : i32
        %eq3A_310 = vector.broadcast %and3A_309 : i32 to vector<16xi32>
        %eq3A_311 = arith.cmpi eq, %iota3A, %eq3A_310 : vector<16xi32>
        %broadcast_in_dim3A_312 = vector.broadcast %reduce_max3A_301 : f32 to vector<16xf32>
        %select_n3A_313 = arith.select %eq3A_311, %broadcast_in_dim3A_312, %get3A_307 : vector<16xi1>, vector<16xf32>
        %swap3A_314 = arith.index_cast %mul3A_305 : i32 to index
        %swap3A_315 = tpu.vector_load %arg8[%swap3A_314] {strides = array<i32>} : memref<128xf32, #tpu.memory_space<vmem>>, vector<16xf32>,
        tpu.vector_store %arg8[%swap3A_314], %select_n3A_313 {strides = array<i32>} : memref<128xf32, #tpu.memory_space<vmem>>, vector<16xf32>,
        %shift_right_arithmetic3A_316 = arith.constant 4 : i32
        %shift_right_arithmetic3A_317 = arith.shrsi %add3A_24, %shift_right_arithmetic3A_316 : i32
        %mul3A_318 = arith.constant 16 : i32
        %mul3A_319 = arith.muli %shift_right_arithmetic3A_317, %mul3A_318 : i32
        %get3A_320 = arith.index_cast %mul3A_319 : i32 to index
        %get3A_321 = tpu.vector_load %arg9[%get3A_320] {strides = array<i32>} : memref<48xi32, #tpu.memory_space<vmem>>, vector<16xi32>,
        %and3A_322 = arith.constant 15 : i32
        %and3A_323 = arith.andi %add3A_24, %and3A_322 : i32
        %eq3A_324 = vector.broadcast %and3A_323 : i32 to vector<16xi32>
        %eq3A_325 = arith.cmpi eq, %iota3A, %eq3A_324 : vector<16xi32>
        %broadcast_in_dim3A_326 = vector.broadcast %add3A_267 : i32 to vector<16xi32>
        %select_n3A_327 = arith.select %eq3A_325, %broadcast_in_dim3A_326, %get3A_321 : vector<16xi1>, vector<16xi32>
        %swap3A_328 = arith.index_cast %mul3A_319 : i32 to index
        %swap3A_329 = tpu.vector_load %arg9[%swap3A_328] {strides = array<i32>} : memref<48xi32, #tpu.memory_space<vmem>>, vector<16xi32>,
        tpu.vector_store %arg9[%swap3A_328], %select_n3A_327 {strides = array<i32>} : memref<48xi32, #tpu.memory_space<vmem>>, vector<16xi32>,
      }
      %scan3A_17 = arith.constant 48 : i32
      "tpu.region"() ({
        %run_scoped3A = tpu.sem_alloc : memref<!tpu.dma_semaphore, #tpu.memory_space<semaphore_mem>>
        %dma_start3A = arith.constant 0 : i32
        %dma_start3A_20 = arith.constant 0 : i32
        %dma_start3A_21 = tpu.memref_slice %arg4[%dma_start3A, %dma_start3A_20] : memref<8192x128xf32, #tpu.memory_space<hbm>> -> memref<8192x128xf32, #tpu.memory_space<hbm>>
        tpu.enqueue_indirect_dma source(%dma_start3A_21 : memref<8192x128xf32, #tpu.memory_space<hbm>>) target(%arg10 : memref<48x128xf32, #tpu.memory_space<vmem>>) offsets(%arg9 : memref<48xi32, #tpu.memory_space<vmem>>) semaphore(%run_scoped3A : memref<!tpu.dma_semaphore, #tpu.memory_space<semaphore_mem>>)
        %dma_wait3A = arith.constant 0 : i32
        %dma_wait3A_22 = arith.constant 0 : i32
        %dma_wait3A_23 = tpu.memref_slice %arg4[%dma_wait3A, %dma_wait3A_22] : memref<8192x128xf32, #tpu.memory_space<hbm>> -> memref<8192x128xf32, #tpu.memory_space<hbm>>
        tpu.wait_indirect_dma semaphore(%run_scoped3A : memref<!tpu.dma_semaphore, #tpu.memory_space<semaphore_mem>>) src(%dma_wait3A_23 : memref<8192x128xf32, #tpu.memory_space<hbm>>) dst(%arg10 : memref<48x128xf32, #tpu.memory_space<vmem>>)
        tpu.yield
      }) : () -> ()
      "tpu.region"() ({
        %run_scoped3A = tpu.sem_alloc : memref<!tpu.dma_semaphore, #tpu.memory_space<semaphore_mem>>
        %dma_start3A = arith.constant 0 : i32
        %dma_start3A_20 = tpu.memref_slice %arg5[%add3A_12, %dma_start3A] : memref<64x48xi32, #tpu.memory_space<hbm>> -> memref<1x48xi32, #tpu.memory_space<hbm>>
        %dma_start3A_21 = tpu.memref_squeeze %dma_start3A_20 : memref<1x48xi32, #tpu.memory_space<hbm>> -> memref<48xi32, #tpu.memory_space<hbm>>
        %dma_start3A_22 = arith.constant 0 : i32
        %dma_start3A_23 = tpu.memref_slice %arg5[%add3A_12, %dma_start3A_22] : memref<64x48xi32, #tpu.memory_space<hbm>> -> memref<1x48xi32, #tpu.memory_space<hbm>>
        %dma_start3A_24 = tpu.memref_squeeze %dma_start3A_23 : memref<1x48xi32, #tpu.memory_space<hbm>> -> memref<48xi32, #tpu.memory_space<hbm>>
        tpu.enqueue_dma source(%arg9 : memref<48xi32, #tpu.memory_space<vmem>>) target(%dma_start3A_24 : memref<48xi32, #tpu.memory_space<hbm>>) target_semaphore(%run_scoped3A : memref<!tpu.dma_semaphore, #tpu.memory_space<semaphore_mem>>)
        %dma_wait3A = arith.constant 0 : i32
        %dma_wait3A_25 = tpu.memref_slice %arg5[%add3A_12, %dma_wait3A] : memref<64x48xi32, #tpu.memory_space<hbm>> -> memref<1x48xi32, #tpu.memory_space<hbm>>
        %dma_wait3A_26 = tpu.memref_squeeze %dma_wait3A_25 : memref<1x48xi32, #tpu.memory_space<hbm>> -> memref<48xi32, #tpu.memory_space<hbm>>
        %dma_wait3A_27 = arith.constant 0 : i32
        %dma_wait3A_28 = tpu.memref_slice %arg5[%add3A_12, %dma_wait3A_27] : memref<64x48xi32, #tpu.memory_space<hbm>> -> memref<1x48xi32, #tpu.memory_space<hbm>>
        %dma_wait3A_29 = tpu.memref_squeeze %dma_wait3A_28 : memref<1x48xi32, #tpu.memory_space<hbm>> -> memref<48xi32, #tpu.memory_space<hbm>>
        tpu.wait_dma2 semaphore(%run_scoped3A : memref<!tpu.dma_semaphore, #tpu.memory_space<semaphore_mem>>) src(%arg9 : memref<48xi32, #tpu.memory_space<vmem>>) dst(%dma_wait3A_29 : memref<48xi32, #tpu.memory_space<hbm>>)
        tpu.yield
      }) : () -> ()
      %mul3A_18 = arith.constant 48 : i32
      %mul3A_19 = arith.muli %add3A_12, %mul3A_18 : i32
      "tpu.region"() ({
        %run_scoped3A = tpu.sem_alloc : memref<!tpu.dma_semaphore, #tpu.memory_space<semaphore_mem>>
        %dma_start3A = arith.constant 0 : i32
        %dma_start3A_20 = tpu.memref_slice %arg6[%mul3A_19, %dma_start3A] : memref<3072x128xf32, #tpu.memory_space<hbm>> -> memref<48x128xf32, #tpu.memory_space<hbm>>
        %dma_start3A_21 = arith.constant 0 : i32
        %dma_start3A_22 = tpu.memref_slice %arg6[%mul3A_19, %dma_start3A_21] : memref<3072x128xf32, #tpu.memory_space<hbm>> -> memref<48x128xf32, #tpu.memory_space<hbm>>
        tpu.enqueue_dma source(%arg10 : memref<48x128xf32, #tpu.memory_space<vmem>>) target(%dma_start3A_22 : memref<48x128xf32, #tpu.memory_space<hbm>>) target_semaphore(%run_scoped3A : memref<!tpu.dma_semaphore, #tpu.memory_space<semaphore_mem>>)
        %dma_wait3A = arith.constant 0 : i32
        %dma_wait3A_23 = tpu.memref_slice %arg6[%mul3A_19, %dma_wait3A] : memref<3072x128xf32, #tpu.memory_space<hbm>> -> memref<48x128xf32, #tpu.memory_space<hbm>>
        %dma_wait3A_24 = arith.constant 0 : i32
        %dma_wait3A_25 = tpu.memref_slice %arg6[%mul3A_19, %dma_wait3A_24] : memref<3072x128xf32, #tpu.memory_space<hbm>> -> memref<48x128xf32, #tpu.memory_space<hbm>>
        tpu.wait_dma2 semaphore(%run_scoped3A : memref<!tpu.dma_semaphore, #tpu.memory_space<semaphore_mem>>) src(%arg10 : memref<48x128xf32, #tpu.memory_space<vmem>>) dst(%dma_wait3A_25 : memref<48x128xf32, #tpu.memory_space<hbm>>)
        tpu.yield
      }) : () -> ()
    }
    %scan3A_4 = arith.constant 2 : i32
    return
  }
}

module attributes {stable_mosaic.version = 14 : i64} {
  func.func @_score_body(%arg0: memref<64x64xf32, #tpu.memory_space<vmem>>, %arg1: memref<64x64xf32, #tpu.memory_space<vmem>>, %arg2: memref<8192x64xf32, #tpu.memory_space<vmem>>, %arg3: memref<8192x64xf32, #tpu.memory_space<vmem>>, %arg4: memref<64x64xf32, #tpu.memory_space<vmem>>, %arg5: memref<1x64xf32, #tpu.memory_space<vmem>>, %arg6: memref<64x64xf32, #tpu.memory_space<vmem>>, %arg7: memref<1x64xf32, #tpu.memory_space<vmem>>, %arg8: memref<1x64xf32, #tpu.memory_space<vmem>>, %arg9: memref<64x8192xf32, #tpu.memory_space<vmem>>, %arg10: memref<64x128xf32, #tpu.memory_space<vmem>>, %arg11: memref<64x128xf32, #tpu.memory_space<vmem>>, %arg12: memref<8192x128xf32, #tpu.memory_space<vmem>>) attributes {dimension_semantics = [], scalar_prefetch = 0 : i64, scratch_operands = 0 : i64, tpu.core_type = #tpu.core_type<tc>} {
    %get3A = arith.constant 0 : index
    %get3A_0 = arith.constant 0 : index
    %get3A_1 = vector.load %arg5[%get3A, %get3A_0] : memref<1x64xf32, #tpu.memory_space<vmem>>, vector<1x64xf32>
    %get3A_2 = arith.constant 0 : index
    %get3A_3 = arith.constant 0 : index
    %get3A_4 = vector.load %arg7[%get3A_2, %get3A_3] : memref<1x64xf32, #tpu.memory_space<vmem>>, vector<1x64xf32>
    %get3A_5 = arith.constant 0 : index
    %get3A_6 = arith.constant 0 : index
    %get3A_7 = vector.load %arg0[%get3A_5, %get3A_6] : memref<64x64xf32, #tpu.memory_space<vmem>>, vector<64x64xf32>
    %get3A_8 = arith.constant 0 : index
    %get3A_9 = arith.constant 0 : index
    %get3A_10 = vector.load %arg4[%get3A_8, %get3A_9] : memref<64x64xf32, #tpu.memory_space<vmem>>, vector<64x64xf32>
    %dot_general3A = arith.constant dense<0.000000e+00> : vector<64x64xf32>
    %dot_general3A_11 = tpu.matmul %get3A_7, %get3A_10, %dot_general3A {dimension_numbers = #tpu.dot_dimension_numbers<[1], [1], [0], [0], [0, 0, 1, 0], [], []>, transpose_lhs_hint = false} : vector<64x64xf32>, vector<64x64xf32>, vector<64x64xf32> -> vector<64x64xf32>
    %add3A = vector.broadcast %get3A_1 : vector<1x64xf32> to vector<64x64xf32>
    %add3A_12 = arith.addf %dot_general3A_11, %add3A : vector<64x64xf32>
    %get3A_13 = arith.constant 0 : index
    %get3A_14 = arith.constant 0 : index
    %get3A_15 = vector.load %arg1[%get3A_13, %get3A_14] : memref<64x64xf32, #tpu.memory_space<vmem>>, vector<64x64xf32>
    %get3A_16 = arith.constant 0 : index
    %get3A_17 = arith.constant 0 : index
    %get3A_18 = vector.load %arg4[%get3A_16, %get3A_17] : memref<64x64xf32, #tpu.memory_space<vmem>>, vector<64x64xf32>
    %dot_general3A_19 = arith.constant dense<0.000000e+00> : vector<64x64xf32>
    %dot_general3A_20 = tpu.matmul %get3A_15, %get3A_18, %dot_general3A_19 {dimension_numbers = #tpu.dot_dimension_numbers<[1], [1], [0], [0], [0, 0, 1, 0], [], []>, transpose_lhs_hint = false} : vector<64x64xf32>, vector<64x64xf32>, vector<64x64xf32> -> vector<64x64xf32>
    %add3A_21 = vector.broadcast %get3A_1 : vector<1x64xf32> to vector<64x64xf32>
    %add3A_22 = arith.addf %dot_general3A_20, %add3A_21 : vector<64x64xf32>
    %get3A_23 = arith.constant 0 : index
    %get3A_24 = arith.constant 0 : index
    %get3A_25 = vector.load %arg2[%get3A_23, %get3A_24] : memref<8192x64xf32, #tpu.memory_space<vmem>>, vector<8192x64xf32>
    %get3A_26 = arith.constant 0 : index
    %get3A_27 = arith.constant 0 : index
    %get3A_28 = vector.load %arg6[%get3A_26, %get3A_27] : memref<64x64xf32, #tpu.memory_space<vmem>>, vector<64x64xf32>
    %dot_general3A_29 = arith.constant dense<0.000000e+00> : vector<8192x64xf32>
    %dot_general3A_30 = tpu.matmul %get3A_25, %get3A_28, %dot_general3A_29 {dimension_numbers = #tpu.dot_dimension_numbers<[1], [1], [0], [0], [0, 0, 1, 0], [], []>, transpose_lhs_hint = false} : vector<8192x64xf32>, vector<64x64xf32>, vector<8192x64xf32> -> vector<8192x64xf32>
    %add3A_31 = vector.broadcast %get3A_4 : vector<1x64xf32> to vector<8192x64xf32>
    %add3A_32 = arith.addf %dot_general3A_30, %add3A_31 : vector<8192x64xf32>
    %get3A_33 = arith.constant 0 : index
    %get3A_34 = arith.constant 0 : index
    %get3A_35 = vector.load %arg3[%get3A_33, %get3A_34] : memref<8192x64xf32, #tpu.memory_space<vmem>>, vector<8192x64xf32>
    %get3A_36 = arith.constant 0 : index
    %get3A_37 = arith.constant 0 : index
    %get3A_38 = vector.load %arg6[%get3A_36, %get3A_37] : memref<64x64xf32, #tpu.memory_space<vmem>>, vector<64x64xf32>
    %dot_general3A_39 = arith.constant dense<0.000000e+00> : vector<8192x64xf32>
    %dot_general3A_40 = tpu.matmul %get3A_35, %get3A_38, %dot_general3A_39 {dimension_numbers = #tpu.dot_dimension_numbers<[1], [1], [0], [0], [0, 0, 1, 0], [], []>, transpose_lhs_hint = false} : vector<8192x64xf32>, vector<64x64xf32>, vector<8192x64xf32> -> vector<8192x64xf32>
    %add3A_41 = vector.broadcast %get3A_4 : vector<1x64xf32> to vector<8192x64xf32>
    %add3A_42 = arith.addf %dot_general3A_40, %add3A_41 : vector<8192x64xf32>
    %concatenate3A = tpu.concatenate %add3A_12, %add3A_22 in 1 : vector<64x64xf32>, vector<64x64xf32> -> vector<64x128xf32>
    %swap3A = arith.constant 0 : index
    %swap3A_43 = arith.constant 0 : index
    %swap3A_44 = vector.load %arg11[%swap3A, %swap3A_43] : memref<64x128xf32, #tpu.memory_space<vmem>>, vector<64x128xf32>
    tpu.vector_store %arg11[%swap3A, %swap3A_43], %concatenate3A {strides = array<i32>} : memref<64x128xf32, #tpu.memory_space<vmem>>, vector<64x128xf32>,
    %concatenate3A_45 = tpu.concatenate %add3A_32, %add3A_42 in 1 : vector<8192x64xf32>, vector<8192x64xf32> -> vector<8192x128xf32>
    %swap3A_46 = arith.constant 0 : index
    %swap3A_47 = arith.constant 0 : index
    %swap3A_48 = vector.load %arg12[%swap3A_46, %swap3A_47] : memref<8192x128xf32, #tpu.memory_space<vmem>>, vector<8192x128xf32>
    tpu.vector_store %arg12[%swap3A_46, %swap3A_47], %concatenate3A_45 {strides = array<i32>} : memref<8192x128xf32, #tpu.memory_space<vmem>>, vector<8192x128xf32>,
    %get3A_49 = arith.constant 0 : index
    %get3A_50 = arith.constant 0 : index
    %get3A_51 = vector.load %arg8[%get3A_49, %get3A_50] : memref<1x64xf32, #tpu.memory_space<vmem>>, vector<1x64xf32>
    %mul3A = arith.mulf %add3A_32, %add3A_32 : vector<8192x64xf32>
    %mul3A_52 = arith.mulf %add3A_42, %add3A_42 : vector<8192x64xf32>
    %add3A_53 = arith.addf %mul3A, %mul3A_52 : vector<8192x64xf32>
    %dot_general3A_54 = arith.constant dense<0.000000e+00> : vector<1x8192xf32>
    %dot_general3A_55 = tpu.matmul %get3A_51, %add3A_53, %dot_general3A_54 {dimension_numbers = #tpu.dot_dimension_numbers<[1], [1], [0], [0], [0, 0, 1, 0], [], []>, transpose_lhs_hint = false} : vector<1x64xf32>, vector<8192x64xf32>, vector<1x8192xf32> -> vector<1x8192xf32>
    %dot_general3A_56 = arith.constant dense<0.000000e+00> : vector<64x8192xf32>
    %dot_general3A_57 = tpu.matmul %add3A_12, %add3A_32, %dot_general3A_56 {dimension_numbers = #tpu.dot_dimension_numbers<[1], [1], [0], [0], [0, 0, 1, 0], [], []>, transpose_lhs_hint = false} : vector<64x64xf32>, vector<8192x64xf32>, vector<64x8192xf32> -> vector<64x8192xf32>
    %dot_general3A_58 = arith.constant dense<0.000000e+00> : vector<64x8192xf32>
    %dot_general3A_59 = tpu.matmul %add3A_22, %add3A_42, %dot_general3A_58 {dimension_numbers = #tpu.dot_dimension_numbers<[1], [1], [0], [0], [0, 0, 1, 0], [], []>, transpose_lhs_hint = false} : vector<64x64xf32>, vector<8192x64xf32>, vector<64x8192xf32> -> vector<64x8192xf32>
    %add3A_60 = arith.addf %dot_general3A_57, %dot_general3A_59 : vector<64x8192xf32>
    %mul3A_61 = arith.constant 2.000000e+00 : f32
    %mul3A_62 = vector.broadcast %mul3A_61 : f32 to vector<64x8192xf32>
    %mul3A_63 = arith.mulf %mul3A_62, %add3A_60 : vector<64x8192xf32>
    %sub3A = vector.broadcast %dot_general3A_55 : vector<1x8192xf32> to vector<64x8192xf32>
    %sub3A_64 = arith.subf %mul3A_63, %sub3A : vector<64x8192xf32>
    %swap3A_65 = arith.constant 0 : index
    %swap3A_66 = arith.constant 0 : index
    %swap3A_67 = vector.load %arg9[%swap3A_65, %swap3A_66] : memref<64x8192xf32, #tpu.memory_space<vmem>>, vector<64x8192xf32>
    tpu.vector_store %arg9[%swap3A_65, %swap3A_66], %sub3A_64 {strides = array<i32>} : memref<64x8192xf32, #tpu.memory_space<vmem>>, vector<64x8192xf32>,
    %reshape3A = vector.shape_cast %sub3A_64 : vector<64x8192xf32> to vector<64x128x64xf32>
    %reduce_max3A = arith.constant dense<0xFF800000> : vector<64x128xf32>
    %reduce_max3A_68 = vector.multi_reduction <maximumf>, %reshape3A, %reduce_max3A [2] : vector<64x128x64xf32> to vector<64x128xf32>
    %swap3A_69 = arith.constant 0 : index
    %swap3A_70 = arith.constant 0 : index
    %swap3A_71 = vector.load %arg10[%swap3A_69, %swap3A_70] : memref<64x128xf32, #tpu.memory_space<vmem>>, vector<64x128xf32>
    tpu.vector_store %arg10[%swap3A_69, %swap3A_70], %reduce_max3A_68 {strides = array<i32>} : memref<64x128xf32, #tpu.memory_space<vmem>>, vector<64x128xf32>,
    return
  }
}

module attributes {stable_mosaic.version = 14 : i64} {
  func.func @_rescore_body(%arg0: memref<3072x128xf32, #tpu.memory_space<vmem>>, %arg1: memref<3072x128xf32, #tpu.memory_space<vmem>>, %arg2: memref<64x48xf32, #tpu.memory_space<vmem>>) attributes {dimension_semantics = [], scalar_prefetch = 0 : i64, scratch_operands = 0 : i64, tpu.core_type = #tpu.core_type<tc>} {
    %get3A = arith.constant 0 : index
    %get3A_0 = arith.constant 0 : index
    %get3A_1 = vector.load %arg0[%get3A, %get3A_0] : memref<3072x128xf32, #tpu.memory_space<vmem>>, vector<3072x128xf32>
    %get3A_2 = arith.constant 0 : index
    %get3A_3 = arith.constant 0 : index
    %get3A_4 = vector.load %arg1[%get3A_2, %get3A_3] : memref<3072x128xf32, #tpu.memory_space<vmem>>, vector<3072x128xf32>
    %sub3A = arith.subf %get3A_1, %get3A_4 : vector<3072x128xf32>
    %mul3A = arith.mulf %sub3A, %sub3A : vector<3072x128xf32>
    %slice3A = vector.extract_strided_slice %mul3A {offsets = [0, 0], sizes = [3072, 8], strides = [1, 1]} : vector<3072x128xf32> to vector<3072x8xf32>
    %slice3A_5 = vector.extract_strided_slice %mul3A {offsets = [0, 8], sizes = [3072, 8], strides = [1, 1]} : vector<3072x128xf32> to vector<3072x8xf32>
    %add3A = arith.addf %slice3A, %slice3A_5 : vector<3072x8xf32>
    %slice3A_6 = vector.extract_strided_slice %mul3A {offsets = [0, 16], sizes = [3072, 8], strides = [1, 1]} : vector<3072x128xf32> to vector<3072x8xf32>
    %add3A_7 = arith.addf %add3A, %slice3A_6 : vector<3072x8xf32>
    %slice3A_8 = vector.extract_strided_slice %mul3A {offsets = [0, 24], sizes = [3072, 8], strides = [1, 1]} : vector<3072x128xf32> to vector<3072x8xf32>
    %add3A_9 = arith.addf %add3A_7, %slice3A_8 : vector<3072x8xf32>
    %slice3A_10 = vector.extract_strided_slice %mul3A {offsets = [0, 32], sizes = [3072, 8], strides = [1, 1]} : vector<3072x128xf32> to vector<3072x8xf32>
    %add3A_11 = arith.addf %add3A_9, %slice3A_10 : vector<3072x8xf32>
    %slice3A_12 = vector.extract_strided_slice %mul3A {offsets = [0, 40], sizes = [3072, 8], strides = [1, 1]} : vector<3072x128xf32> to vector<3072x8xf32>
    %add3A_13 = arith.addf %add3A_11, %slice3A_12 : vector<3072x8xf32>
    %slice3A_14 = vector.extract_strided_slice %mul3A {offsets = [0, 48], sizes = [3072, 8], strides = [1, 1]} : vector<3072x128xf32> to vector<3072x8xf32>
    %add3A_15 = arith.addf %add3A_13, %slice3A_14 : vector<3072x8xf32>
    %slice3A_16 = vector.extract_strided_slice %mul3A {offsets = [0, 56], sizes = [3072, 8], strides = [1, 1]} : vector<3072x128xf32> to vector<3072x8xf32>
    %add3A_17 = arith.addf %add3A_15, %slice3A_16 : vector<3072x8xf32>
    %slice3A_18 = vector.extract_strided_slice %mul3A {offsets = [0, 64], sizes = [3072, 8], strides = [1, 1]} : vector<3072x128xf32> to vector<3072x8xf32>
    %add3A_19 = arith.addf %add3A_17, %slice3A_18 : vector<3072x8xf32>
    %slice3A_20 = vector.extract_strided_slice %mul3A {offsets = [0, 72], sizes = [3072, 8], strides = [1, 1]} : vector<3072x128xf32> to vector<3072x8xf32>
    %add3A_21 = arith.addf %add3A_19, %slice3A_20 : vector<3072x8xf32>
    %slice3A_22 = vector.extract_strided_slice %mul3A {offsets = [0, 80], sizes = [3072, 8], strides = [1, 1]} : vector<3072x128xf32> to vector<3072x8xf32>
    %add3A_23 = arith.addf %add3A_21, %slice3A_22 : vector<3072x8xf32>
    %slice3A_24 = vector.extract_strided_slice %mul3A {offsets = [0, 88], sizes = [3072, 8], strides = [1, 1]} : vector<3072x128xf32> to vector<3072x8xf32>
    %add3A_25 = arith.addf %add3A_23, %slice3A_24 : vector<3072x8xf32>
    %slice3A_26 = vector.extract_strided_slice %mul3A {offsets = [0, 96], sizes = [3072, 8], strides = [1, 1]} : vector<3072x128xf32> to vector<3072x8xf32>
    %add3A_27 = arith.addf %add3A_25, %slice3A_26 : vector<3072x8xf32>
    %slice3A_28 = vector.extract_strided_slice %mul3A {offsets = [0, 104], sizes = [3072, 8], strides = [1, 1]} : vector<3072x128xf32> to vector<3072x8xf32>
    %add3A_29 = arith.addf %add3A_27, %slice3A_28 : vector<3072x8xf32>
    %slice3A_30 = vector.extract_strided_slice %mul3A {offsets = [0, 112], sizes = [3072, 8], strides = [1, 1]} : vector<3072x128xf32> to vector<3072x8xf32>
    %add3A_31 = arith.addf %add3A_29, %slice3A_30 : vector<3072x8xf32>
    %slice3A_32 = vector.extract_strided_slice %mul3A {offsets = [0, 120], sizes = [3072, 8], strides = [1, 1]} : vector<3072x128xf32> to vector<3072x8xf32>
    %add3A_33 = arith.addf %add3A_31, %slice3A_32 : vector<3072x8xf32>
    %slice3A_34 = vector.extract_strided_slice %add3A_33 {offsets = [0, 0], sizes = [3072, 4], strides = [1, 1]} : vector<3072x8xf32> to vector<3072x4xf32>
    %slice3A_35 = vector.extract_strided_slice %add3A_33 {offsets = [0, 4], sizes = [3072, 4], strides = [1, 1]} : vector<3072x8xf32> to vector<3072x4xf32>
    %add3A_36 = arith.addf %slice3A_34, %slice3A_35 : vector<3072x4xf32>
    %slice3A_37 = vector.extract_strided_slice %add3A_36 {offsets = [0, 0], sizes = [3072, 2], strides = [1, 1]} : vector<3072x4xf32> to vector<3072x2xf32>
    %slice3A_38 = vector.extract_strided_slice %add3A_36 {offsets = [0, 2], sizes = [3072, 2], strides = [1, 1]} : vector<3072x4xf32> to vector<3072x2xf32>
    %add3A_39 = arith.addf %slice3A_37, %slice3A_38 : vector<3072x2xf32>
    %slice3A_40 = vector.extract_strided_slice %add3A_39 {offsets = [0, 0], sizes = [3072, 1], strides = [1, 1]} : vector<3072x2xf32> to vector<3072x1xf32>
    %slice3A_41 = vector.extract_strided_slice %add3A_39 {offsets = [0, 1], sizes = [3072, 1], strides = [1, 1]} : vector<3072x2xf32> to vector<3072x1xf32>
    %add3A_42 = arith.addf %slice3A_40, %slice3A_41 : vector<3072x1xf32>
    %sqrt3A = math.sqrt %add3A_42 : vector<3072x1xf32>
    %mul3A_43 = arith.mulf %sqrt3A, %sqrt3A : vector<3072x1xf32>
    %neg3A = arith.constant 0.000000e+00 : f32
    %neg3A_44 = vector.broadcast %neg3A : f32 to vector<3072x1xf32>
    %neg3A_45 = arith.subf %neg3A_44, %mul3A_43 : vector<3072x1xf32>
    %mul3A_46 = arith.constant 1.250000e-01 : f32
    %mul3A_47 = vector.broadcast %mul3A_46 : f32 to vector<3072x1xf32>
    %mul3A_48 = arith.mulf %neg3A_45, %mul3A_47 : vector<3072x1xf32>
    %reshape3A = vector.shape_cast %mul3A_48 : vector<3072x1xf32> to vector<64x48xf32>
    %swap3A = arith.constant 0 : index
    %swap3A_49 = arith.constant 0 : index
    %swap3A_50 = vector.load %arg2[%swap3A, %swap3A_49] : memref<64x48xf32, #tpu.memory_space<vmem>>, vector<64x48xf32>
    tpu.vector_store %arg2[%swap3A, %swap3A_49], %reshape3A {strides = array<i32>} : memref<64x48xf32, #tpu.memory_space<vmem>>, vector<64x48xf32>,
    return
  }
}

</mosaic_0001>

<sc_bundles>
// kernel: kernel.6.cloned.1.call-start
scs
__scs_entry_jumppad:
0x0: {  	(pc) =	sbr.rel $0x88, $3  }
0x1: {  	(tag) =	ssettag $0x0;
	lr =	simm.s32 $0x1  }
0x2: {  	[smem:$0x3F9B] =	sst lr;
	_ =	strace $0xD0000000  }
0x3: {  	_ = 	snop  }
0x4: {  	_ = 	snop  }
0x5: {  	_ = 	snop  }
0x6: {  	_ = 	snop  }
0x7: {  	_ = 	snop  }
__scs_overlays_trampoline_lowered:
0x8: {  	[smem:$0x3FAA] =	sst s0  }
0x9: {  	[smem:$0x3FAB] =	sst s1  }
0xa: {  	[smem:$0x3FAC] =	sst s2  }
0xb: {  	[smem:$0x3FAD] =	sst s3  }
0xc: {  	[smem:$0x3FAE] =	sst s4  }
0xd: {  	[smem:$0x3FAF] =	sst s5  }
0xe: {  	[smem:$0x3FB0] =	sst s6  }
0xf: {  	[smem:$0x3FB1] =	sst s7  }
0x10: {  	[smem:$0x3FB2] =	sst s8  }
0x11: {  	[smem:$0x3FB3] =	sst s9;
	s0 =	simm.s32 @!p0 $0x0  }
0x12: {  	s1 =	sld [smem:$0x3F99];
	s0 =	simm.s32 @p0 $0x1  }
0x13: {  	[smem:$0x3FB4] =	sst s0;
	s0 =	simm.s32 @!p1 $0x0  }
0x14: {  	s2 =	sld [smem:$0x3F98];
	s0 =	simm.s32 @p1 $0x1  }
0x15: {  	[smem:$0x3FB5] =	sst s0;
	s0 =	simm.s32 @!p2 $0x0  }
0x16: {  	s3 =	sld [smem:$0x3FDB];
	s0 =	simm.s32 @p2 $0x1  }
0x17: {  	s4 =	simm.s32 $0x1BF5;
	[smem:$0x3FB7] =	sst s0  }
0x18: {  	s0 =	sld [smem:$0x3F9A];
	_ =	swait.ge [sflag:s4], $0x0  }
0x19: {  	s7 =	sld [smem:$0x3F9B]  }
0x1a: {  	s8 =	sadd.s32 $0xFFFFE003, lr  }
0x1b: {  	s9 =	sadd.s32 $0xFFFFFEF7, lr;
	s5 =	simm.s32 $0xFFFFFFFF;
	p2 =	slt.u32 s8, $0xFFFFF086  }
0x1c: {  	p1 =	slt.u32 s9, $0xF7A;
	s5 =	simm.s32 @!p2 $0x0  }
0x1d: {  	s5 =	simm.s32 @p1 $0x1;
	p0 =	seq.s32 s7, s2  }
0x1e: {  	s7 =	smul.u32 @!p0 $0xF7A, s2;
	p2 =	seq.s32 @!p0 s5, $0x0  }
0x1f: {  	s9 =	smul.u32 $0xF7A, s1;
	s8 =	simm.s32 @!p0 $0x1BF5;
	p2 =	por !p2, p0  }
0x20: {  	[sflag:s8] =	ssyncset.s32 @!p0 $0xFFFFF086;
	s6 =	sadd.s32 @!p0 s3, s7;
	s7 =	simm.s32 @!p0 $0x108  }
0x21: {  	s3 =	sadd.s32 s3, s9;
	s6 =	sadd.s32 @!p0 $0x88, s6;
	s7 =	simm.s32 @p2 $0x1082  }
0x22: {  	[simem:s7], [sflag:s8] =	dma.local @!p0 [hbm:s6], $0xF7A  }
0x23: {  	s9 =	sor.u32 $0xD0000000, s2;
	s6 =	simm.s32 $0x108;
	_ =	swait.ge @!p0 [sflag:s8], $0x0  }
0x24: {  	s3 =	sadd.s32 $0x88, s3;
	s6 =	simm.s32 @!p1 $0x1082;
	[sflag:s4] =	ssyncset.s32 $0xFFFFF086  }
0x25: {  	[simem:s6], [sflag:s4] =	dma.local [hbm:s3], $0xF7A  }
0x26: {  	[smem:$0x3F9B] =	sst s1;
	(tag) =	ssettag s2;
	_ =	strace s9  }
0x27: {  	s1 =	sld [smem:$0x3FAB]  }
0x28: {  	s2 =	sld [smem:$0x3FAC]  }
0x29: {  	s4 =	sld [smem:$0x3FAE]  }
0x2a: {  	p0 =	seq.s32 s5, $0x0;
	s5 =	sld [smem:$0x3FAF]  }
0x2b: {  	s6 =	sld [smem:$0x3FB0]  }
0x2c: {  	s7 =	sld [smem:$0x3FB1]  }
0x2d: {  	s3 =	simm.s32 $0x108;
	s8 =	sld [smem:$0x3FB2]  }
0x2e: {  	s3 =	simm.s32 @!p0 $0x1082;
	s9 =	sld [smem:$0x3FB3]  }
0x2f: {  	lr =	sadd.s32 s0, s3;
	s0 =	sld [smem:$0x3FAA]  }
0x30: {  	s3 =	sld [smem:$0x3FAD]  }
0x31: {  	[smem:$0x3FB6] =	sst s10  }
0x32: {  	s10 =	sld [smem:$0x3FB4];
	_ =	sdelay $0x3  }
0x33: {  	p0 =	seq.s32 s10, $0x1;
	s10 =	sld [smem:$0x3FB6];
	_ =	sdelay $0x3  }
0x34: {  	[smem:$0x3FB6] =	sst s10  }
0x35: {  	s10 =	sld [smem:$0x3FB5];
	_ =	sdelay $0x3  }
0x36: {  	p1 =	seq.s32 s10, $0x1;
	s10 =	sld [smem:$0x3FB6];
	_ =	sdelay $0x3  }
0x37: {  	[smem:$0x3FB6] =	sst s10  }
0x38: {  	s10 =	sld [smem:$0x3FB7]  }
0x39: {  	_ = 	snop;
	(pc) =	sbr.ind lr, $3  }
0x3a: {  	_ = 	snop  }
0x3b: {  	_ = 	snop  }
0x3c: {  	p2 =	seq.s32 s10, $0x1;
	s10 =	sld [smem:$0x3FB6]  }
0x3d: {  	_ =	shalt  }
0x3e: {  	_ =	shalt  }
0x3f: {  	_ =	shalt  }
0x40: {  	_ =	shalt  }
0x41: {  	_ =	shalt  }
0x42: {  	_ =	shalt  }
0x43: {  	_ =	shalt  }
0x44: {  	_ =	shalt  }
0x45: {  	_ =	shalt  }
0x46: {  	_ =	shalt  }
0x47: {  	_ =	shalt  }
0x48: {  	_ =	shalt  }
0x49: {  	_ =	shalt  }
0x4a: {  	_ =	shalt  }
0x4b: {  	_ =	shalt  }
0x4c: {  	_ =	shalt  }
0x4d: {  	_ =	shalt  }
0x4e: {  	_ =	shalt  }
0x4f: {  	_ =	shalt  }
0x50: {  	_ =	shalt  }
0x51: {  	_ =	shalt  }
0x52: {  	_ =	shalt  }
0x53: {  	_ =	shalt  }
0x54: {  	_ =	shalt  }
0x55: {  	_ =	shalt  }
0x56: {  	_ =	shalt  }
0x57: {  	_ =	shalt  }
0x58: {  	_ =	shalt  }
0x59: {  	_ =	shalt  }
0x5a: {  	_ =	shalt  }
0x5b: {  	_ =	shalt  }
0x5c: {  	_ =	shalt  }
0x5d: {  	_ =	shalt  }
0x5e: {  	_ =	shalt  }
0x5f: {  	_ =	shalt  }
0x60: {  	_ =	shalt  }
0x61: {  	_ =	shalt  }
0x62: {  	_ =	shalt  }
0x63: {  	_ =	shalt  }
0x64: {  	_ =	shalt  }
0x65: {  	_ =	shalt  }
0x66: {  	_ =	shalt  }
0x67: {  	_ =	shalt  }
0x68: {  	_ =	shalt  }
0x69: {  	_ =	shalt  }
0x6a: {  	_ =	shalt  }
0x6b: {  	_ =	shalt  }
0x6c: {  	_ =	shalt  }
0x6d: {  	_ =	shalt  }
0x6e: {  	_ =	shalt  }
0x6f: {  	_ =	shalt  }
0x70: {  	_ =	shalt  }
0x71: {  	_ =	shalt  }
0x72: {  	_ =	shalt  }
0x73: {  	_ =	shalt  }
0x74: {  	_ =	shalt  }
0x75: {  	_ =	shalt  }
0x76: {  	_ =	shalt  }
0x77: {  	_ =	shalt  }
0x78: {  	_ =	shalt  }
0x79: {  	_ =	shalt  }
0x7a: {  	_ =	shalt  }
0x7b: {  	_ =	shalt  }
0x7c: {  	_ =	shalt  }
0x7d: {  	_ =	shalt  }
0x7e: {  	_ =	shalt  }
0x7f: {  	_ =	shalt  }
0x80: {  	_ =	shalt  }
0x81: {  	_ =	shalt  }
0x82: {  	_ =	shalt  }
0x83: {  	_ =	shalt  }
0x84: {  	_ =	shalt  }
0x85: {  	_ =	shalt  }
0x86: {  	_ =	shalt  }
0x87: {  	_ =	shalt  }
.Lfunc_end0:
.L_simem_size_0:
called_computation_lowered:
.L_overlay_start_0:
0x88: {  	s2 =	sld [smem:$0x3FD9]  }
0x89: {  	s3 =	sld [smem:$0x3FFE];
	_ =	sdelay $0x1  }
0x8a: {  	s1 =	srdreg.scid  }
0x8b: {  	s0 =	sand.u32 $0x1, s1  }
0x8c: {  	s16 =	sshll.u32 s0, $0xA;
	s2 =	sadd.s32 s3, s2  }
0x8d: {  	s2 =	sadd.s32 s2, s16  }
0x8e: {  	[smem:$0x3FC2] =	sst s2  }
0x8f: {  	_ = 	snop  }
0x90: {  	(tm) =	ssettm $0x1  }
0x91: {  	s17 =	sld [smem:$0x3FFB];
	_ =	sdelay $0x3  }
0x92: {  	_ =	strace s17  }
0x93: {  	s2 =	sld [smem:$0x3FFC];
	_ =	sdelay $0x3  }
0x94: {  	_ =	strace s2  }
0x95: {  	s2 =	sld [smem:$0x3FFD];
	_ =	sdelay $0x3  }
0x96: {  	_ =	strace s2  }
0x97: {  	_ =	strace $0x8FFFFFFF  }
0x98: {  	s18 =	sld [smem:$0x3FDB];
	_ =	sdelay $0x1  }
0x99: {  	s19 =	simm.s32 $_scs_section_size  }
0x9a: {  	s4 =	simm.s32 $_size__tile_overlayer_lowered;
	s5 =	simm.s32 $_tile_overlayer_lowered  }
0x9b: {  	s22 =	simm.s32 $0x1BFF;
	s21 =	sshll.u32 s5, $0x1;
	s2 =	sadd.s32 s19, s18  }
0x9c: {  	s6 =	simm.s32 $0x0;
	s20 =	sshll.u32 s4, $0x1;
	s4 =	sadd.s32 s21, s2  }
0x9d: {  	[timem:s6], [sflag:s22] =	dma.local [hbm:s4], s20  }
0x9e: {  	_ =	swait.ge [sflag:s22], s20  }
0x9f: {  	s3 =	ssub.s32 $0x0, s20;
	[sflag:s22] =	ssyncset.done $0x0  }
0xa0: {  	[sflag:s22] =	ssyncadd.s32 s3;
	_ =	sdelay $0x1  }
0xa1: {  	s23 =	simm.s32 $0x1B8B  }
0xa2: {  	_ =	swait.ge [sflag:s23], $0x1  }
0xa3: {  	[sflag:s23] =	ssyncset.done $0x0  }
0xa4: {  	s25 =	simm.s32 $0x1B8E;
	s24 =	sld [smem:$0x3FFE];
	[sflag:s23] =	ssyncadd.s32 $0xFFFFFFFF  }
0xa5: {  	s26 =	simm.s32 $execute0_lowered;
	[smem:$0x3FD2] =	sst s25  }
0xa6: {  	s4 =	sshll.u32 s26, $0x1;
	_ =	strace $0x80000046;
	[dreg:$0x1] =	wrdreg $0xFFFFFFFF  }
0xa7: {  	s28 =	simm.s32 $_size_execute0_lowered;
	s2 =	sadd.s32 s2, s4;
	[dreg:$0x0] =	wrdreg $0x0  }
0xa8: {  	s4 =	sshll.u32 s28, $0x1;
	[dreg:$0x2] =	wrdreg s2  }
0xa9: {  	[dreg:$0x3] =	wrdreg s4  }
0xaa: {  	[dreg:$0x4] =	wrdreg $0xC0  }
0xab: {  	_ =	task [dreg:s6], $0x5FFFF  }
0xac: {  	[dreg:$0x1] =	wrdreg $0xFFFFFFFF  }
0xad: {  	[dreg:$0x0] =	wrdreg $0x60  }
0xae: {  	[dreg:$0x2] =	wrdreg s24  }
0xaf: {  	[dreg:$0x3] =	wrdreg $0x9  }
0xb0: {  	_ =	task.clear_ibuf [dreg:s6], $0x4FFFF;
	_ =	strace $0x90000046  }
0xb1: {  	s29 =	simm.s32 $0x9;
	_ =	strace $0x80000048  }
0xb2: {  	_ =	swait.ge [sflag:s29], $0x1  }
0xb3: {  	[sflag:s29] =	ssyncadd.s32 $0xFFFFFFFF  }
0xb4: {  	_ =	strace $0x90000048  }
0xb5: {  	_ =	sfence  }
0xb6: {  	s30 =	sld [smem:$0x0];
	_ =	sdelay $0x2  }
0xb7: {  	s31 =	sshll.u32 s1, $0xD;
	s1 =	sshrl.u32 s1, $0x2  }
0xb8: {  	s3 =	sand.u32 $0x4000, s31;
	s1 =	sadd.s32 s1, s30  }
0xb9: {  	s0 =	sor.u32 s3, s0;
	s1 =	sshll.u32 s1, $0x11  }
0xba: {  	s0 =	sor.u32 s1, s0  }
0xbb: {  	s0 =	sadd.s32 $0x8F2B, s0  }
0xbc: {  	[sflag:s0] =	ssyncadd.remote.s32 $0x1  }
0xbd: {  	_ =	sfence.sel $0xFFFF  }
0xbe: {  	[dreg:$0x0] =	wrdreg $0xFFFFFFFF;
	(pc) =	sbr.abs _section_cstart, $3  }
0xbf: {  	[dreg:$0x1] =	wrdreg $0xFFFFFFFF  }
0xc0: {  	_ =	task.clear_ibuf [dreg:s6], $0x2FFFF;
	_ =	strace $0x9FFFFFFF  }
0xc1: {  	(tm) =	ssettm $0x7FFFFFFF  }
tec
execute0_lowered:
.L_overlay_start_1:
0x0: {  	(tag) =	ssettag $0x1  }
0x1: {  	s4 =	rddreg [dreg:$0x0]  }
0x2: {  	s0 =	rddreg [dreg:$0x1];
	s1 =	simm.s32 $0x0;
	s2 =	srdreg.scid  }
0x3: {  	s13 =	simm.s32 $0x2000;
	s14 =	simm.s32 $0x80;
	s15 =	simm.s32 $0x1  }
0x4: {  	s16 =	simm.s32 $0x30;
	s17 =	simm.s32 $0x2080;
	s18 =	simm.s32 $0x2100  }
0x5: {  	s19 =	simm.s32 $0x0;
	[smem:$0x7FF] =	sst s1;
	s8 =	sand.u32 $0x1, s2  }
0x6: {  	s2 =	sadd.s32 $0x22800, s4;
	s3 =	sadd.s32 $0x32800, s4;
	s5 =	sadd.s32 $0x2800, s4  }
0x7: {  	s6 =	sadd.s32 $0x3EC00, s4;
	s7 =	sadd.s32 $0x32C00, s4;
	s4 =	stileid.u32  }
0x8: {  	v0 =	vlaneseq.u32;
	_ =	strace $0x80000047;
	s9 =	ssub.s32 $0x2, s8;
	s31 =	sshll.u32 s4, $0x2  }
0x9: {  	v2 =	vor.u32 $0x80000010, v0;
	v3 =	vor.u32 $0x80000020, v0;
	v4 =	vor.u32 $0x80000030, v0;
	s8 =	sshll.u32 s8, $0x1;
	s11 =	sshrl.u32 s4, $0x1;
	s10 =	sshrl.u32 s9, $0x1  }
0xa: {  	v5 =	vor.u32 $0x80000040, v0;
	v6 =	vor.u32 $0x80000050, v0;
	s8 =	sor.u32 s8, s31;
	s12 =	ssub.s32 s9, s10;
	s9 =	sshll.u32 s11, $0xA  }
0xb: {  	v1 =	vor.u32 $0x80000000, v0;
	v7 =	vor.u32 $0x80000060, v0;
	v8 =	vor.u32 $0x80000070, v0;
	s10 =	simm.s32 $0x400;
	s11 =	sshll.u32 s11, $0x10;
	s12 =	smax.u32 s12, $0x1  }
.LBB2_1:
0xc: {  	p1 =	por $0x1, $0x1;
	s22 =	simm.s32 $0x0  }
.LBB2_2:
0xd: {  	s20 =	sor.u32 s8, s22  }
0xe: {  	s21 =	sshll.u32 s20, $0x7  }
0xf: {  	s21 =	sand.u32 $0x380, s21  }
0x10: {  	s26 =	sor.u32 s11, s21  }
0x11: {  	s22 =	sshrl.u32 s26, $0x3  }
0x12: {  	s23 =	simm.s32 $0x0;
	s22 =	sadd.s32 s2, s22  }
0x13: {  	[tilespmem:s23], [sflag:$0x1] =	stream.strided.gather [hbm4b:s22+s14], $0x2000, s10, s14, $0x38;
	[tilespmem:$0x3900] =	vst v63  }
0x14: {  	s21 =	sor.u32 s9, s21;
	_ =	swait.ge [sflag:s15], $0x2000  }
0x15: {  	s21 =	sshrl.u32 s21, $0x3;
	[sflag:s15] =	ssyncset.done $0x0  }
0x16: {  	s29 =	sadd.s32 s3, s21;
	[sflag:s15] =	ssyncadd.s32 $0xFFFFE000  }
0x17: {  	[tilespmem:s13], [sflag:$0x1] =	stream.linear.gather [hbm4b:s29+s23], $0x80, $0x38;
	[tilespmem:$0x3900] =	vst v63  }
0x18: {  	_ =	swait.ge [sflag:s15], $0x80  }
0x19: {  	[sflag:s15] =	ssyncset.done $0x0  }
0x1a: {  	[sflag:s15] =	ssyncadd.s32 $0xFFFFFF80  }
0x1b: {  	v9 =	vld [tilespmem:$0x2010]  }
0x1c: {  	v10 =	vld [tilespmem:$0x2000]  }
0x1d: {  	v11 =	vld [tilespmem:$0x2020]  }
0x1e: {  	v12 =	vld [tilespmem:$0x2030]  }
0x1f: {  	v13 =	vld [tilespmem:$0x2040]  }
0x20: {  	v14 =	vld [tilespmem:$0x2050]  }
0x21: {  	v15 =	vld [tilespmem:$0x2060];
	v16 =	vmax.f32 v10, v9  }
0x22: {  	v17 =	vld [tilespmem:$0x2070];
	v16 =	vmax.f32 v16, v11  }
0x23: {  	v16 =	vmax.f32 v16, v12  }
0x24: {  	v16 =	vmax.f32 v16, v13  }
0x25: {  	v16 =	vmax.f32 v16, v14  }
0x26: {  	v16 =	vmax.f32 v16, v15  }
0x27: {  	v16 =	vmax.f32 v16, v17  }
0x28: {  	(xrf0) =	vmax.scan.msk.f32 $0xffff, v16;
	_ =	sdelay $0x5  }
0x29: {  	v16, _, _ =	vpop (xrf0)  }
0x2a: {  	v16 =	vbroadcast v16, $0xF;
	_ =	sdelay $0x1  }
0x2b: {  	vm0 =	veq.f32 v10, v16  }
0x2c: {  	vm1 =	veq.f32 v9, v16;
	v9 =	vnsel vm0, $0x80100000, v1  }
0x2d: {  	v10 =	vnsel vm1, $0x80100000, v2;
	(xrf0) =	vmin.scan.msk.u32 $0xffff, v9  }
0x2e: {  	vm5 =	veq.f32 v11, v16;
	(xrf0) =	vmin.scan.msk.u32 $0xffff, v10  }
0x2f: {  	vm6 =	veq.f32 v12, v16;
	v9 =	vnsel vm5, $0x80100000, v3  }
0x30: {  	vm7 =	veq.f32 v13, v16;
	(xrf0) =	vmin.scan.msk.u32 $0xffff, v9;
	v9 =	vnsel vm6, $0x80100000, v4  }
0x31: {  	(xrf0) =	vmin.scan.msk.u32 $0xffff, v9;
	v9 =	vnsel vm7, $0x80100000, v5;
	_ =	sdelay $0x1  }
0x32: {  	v10, _, _ =	vpop (xrf0)  }
0x33: {  	vm8 =	veq.f32 v14, v16;
	(xrf0) =	vmin.scan.msk.u32 $0xffff, v9;
	(v2sf) =	vpush v10, $0xF;
	v9, _, _ =	vpop (xrf0)  }
0x34: {  	v10 =	vnsel vm8, $0x80100000, v6;
	(v2sf) =	vpush v9, $0xF  }
0x35: {  	vm9 =	veq.f32 v15, v16;
	(xrf0) =	vmin.scan.msk.u32 $0xffff, v10;
	v9, _, _ =	vpop (xrf0)  }
0x36: {  	v10 =	vnsel vm9, $0x80100000, v7;
	(v2sf) =	vpush v9, $0xF  }
0x37: {  	vm10 =	veq.f32 v17, v16;
	(xrf0) =	vmin.scan.msk.u32 $0xffff, v10;
	v9, _, _ =	vpop (xrf0)  }
0x38: {  	v10 =	vnsel vm10, $0x80100000, v8;
	(v2sf) =	vpush v9, $0xF  }
0x39: {  	(xrf0) =	vmin.scan.msk.u32 $0xffff, v10;
	v9, _, _ =	vpop (xrf0)  }
0x3a: {  	(v2sf) =	vpush v9, $0xF  }
0x3b: {  	v9, _, _ =	vpop (xrf0)  }
0x3c: {  	(v2sf) =	vpush v9, $0xF  }
0x3d: {  	v9, _, _ =	vpop (xrf0)  }
0x3e: {  	(v2sf) =	vpush v9, $0xF  }
0x3f: {  	v9, _, _ =	vpop (xrf0)  }
0x40: {  	(v2sf) =	vpush v9, $0xF;
	_ =	sdelay $0x1  }
0x41: {  	s30 =	spop (v2sf)  }
0x42: {  	s24 =	spop (v2sf)  }
0x43: {  	s22 =	sxor.u32 $0x80000000, s30;
	s24 =	sxor.u32 $0x80000000, s24  }
0x44: {  	s25 =	spop (v2sf);
	p0 =	slt.s32 s22, s24  }
0x45: {  	s24 =	smov.u32 @p0 s22;
	s22 =	sxor.u32 $0x80000000, s25  }
0x46: {  	s31 =	spop (v2sf);
	p0 =	slt.s32 s24, s22  }
0x47: {  	s22 =	smov.u32 @p0 s24;
	s24 =	sxor.u32 $0x80000000, s31  }
0x48: {  	s26 =	spop (v2sf);
	p0 =	slt.s32 s22, s24  }
0x49: {  	s24 =	smov.u32 @p0 s22;
	s22 =	sxor.u32 $0x80000000, s26  }
0x4a: {  	s29 =	spop (v2sf);
	p0 =	slt.s32 s24, s22  }
0x4b: {  	s22 =	smov.u32 @p0 s24;
	s24 =	sxor.u32 $0x80000000, s29  }
0x4c: {  	s30 =	spop (v2sf);
	p0 =	slt.s32 s22, s24  }
0x4d: {  	s24 =	smov.u32 @p0 s22;
	s22 =	sxor.u32 $0x80000000, s30  }
0x4e: {  	s31 =	spop (v2sf);
	p0 =	slt.s32 s24, s22  }
0x4f: {  	s25 =	sxor.u32 $0x80000000, s31;
	s22 =	smov.u32 @p0 s24  }
0x50: {  	p0 =	slt.s32 s22, s25  }
0x51: {  	s25 =	smov.u32 @p0 s22  }
0x52: {  	p0 =	slt.s32 s25, $0x100000  }
0x53: {  	s25 =	simm.s32 @!p0 $0x100000  }
0x54: {  	s26 =	sshll.u32 s25, $0x6  }
0x55: {  	v9 =	vld [tilespmem:s26+$0x0];
	_ =	sdelay $0x1  }
0x56: {  	v10 =	vld [tilespmem:s26+$0x10];
	_ =	sdelay $0x1  }
0x57: {  	v11 =	vld [tilespmem:s26+$0x20]  }
0x58: {  	vm11 =	veq.f32 v9, v16;
	v9 =	vld [tilespmem:s26+$0x30];
	_ =	sdelay $0x1  }
0x59: {  	vm12 =	veq.f32 v10, v16;
	v63 =	vnsel vm11, $0x80100000, v1  }
0x5a: {  	v10 =	vnsel vm12, $0x80100000, v2;
	(xrf0) =	vmin.scan.msk.u32 $0xffff, v63  }
0x5b: {  	vm13 =	veq.f32 v11, v16;
	(xrf0) =	vmin.scan.msk.u32 $0xffff, v10  }
0x5c: {  	v10 =	vnsel vm13, $0x80100000, v3;
	vm14 =	veq.f32 v9, v16  }
0x5d: {  	(xrf0) =	vmin.scan.msk.u32 $0xffff, v10;
	v9 =	vnsel vm14, $0x80100000, v4;
	_ =	sdelay $0x1  }
0x5e: {  	(xrf0) =	vmin.scan.msk.u32 $0xffff, v9  }
0x5f: {  	v9, _, _ =	vpop (xrf0)  }
0x60: {  	(v2sf) =	vpush v9, $0xF;
	v9, _, _ =	vpop (xrf0)  }
0x61: {  	(v2sf) =	vpush v9, $0xF  }
0x62: {  	v9, _, _ =	vpop (xrf0)  }
0x63: {  	(v2sf) =	vpush v9, $0xF  }
0x64: {  	v9, _, _ =	vpop (xrf0)  }
0x65: {  	(v2sf) =	vpush v9, $0xF;
	_ =	sdelay $0x9  }
0x66: {  	s24 =	spop (v2sf)  }
0x67: {  	s29 =	spop (v2sf)  }
0x68: {  	s22 =	sxor.u32 $0x80000000, s24;
	s24 =	sxor.u32 $0x80000000, s29  }
0x69: {  	s28 =	spop (v2sf);
	p0 =	slt.s32 s22, s24  }
0x6a: {  	s24 =	smov.u32 @p0 s22;
	s22 =	sxor.u32 $0x80000000, s28  }
0x6b: {  	s28 =	spop (v2sf);
	p0 =	slt.s32 s24, s22  }
0x6c: {  	s28 =	sxor.u32 $0x80000000, s28;
	s22 =	smov.u32 @p0 s24  }
0x6d: {  	p0 =	slt.s32 s22, s28  }
0x6e: {  	s28 =	smov.u32 @p0 s22  }
0x6f: {  	p0 =	slt.s32 s28, $0x100000  }
0x70: {  	s28 =	simm.s32 @!p0 $0x100000  }
0x71: {  	s30 =	sand.u32 $0xFFFFFFF0, s28  }
0x72: {  	s29 =	sadd.s32 s30, s26  }
0x73: {  	v9 =	vld [tilespmem:s29+$0x0];
	_ =	sdelay $0x1  }
0x74: {  	s31 =	sand.u32 $0xF, s28  }
0x75: {  	v10 =	vmov s31  }
0x76: {  	vm15 =	veq.s32 v10, v0  }
0x77: {  	s24 =	simm.s32 $0x2;
	s30 =	sand.u32 $0xF, s25;
	v10 =	vsel vm15, $0xFF800000, v9  }
0x78: {  	s22 =	simm.s32 $0x1;
	p0 =	por p1, p1;
	s28 =	sadd.s32 s28, s26;
	v9 =	vmov s30;
	[tilespmem:s29+$0x0] =	vst v10  }
.LBB2_3:
0x79: {  	p1 =	sne.s32 s24, $0x2F;
	v10 =	vld [tilespmem:s26+$0x10];
	s29 =	smov.u32 s24;
	s24 =	sadd.s32 $0x1, s24  }
0x7a: {  	v11 =	vld [tilespmem:s26+$0x0]  }
0x7b: {  	v12 =	vld [tilespmem:s26+$0x20]  }
0x7c: {  	v13 =	vld [tilespmem:s26+$0x30];
	_ =	sdelay $0x2  }
0x7d: {  	v10 =	vmax.f32 v11, v10  }
0x7e: {  	v10 =	vmax.f32 v10, v12  }
0x7f: {  	v10 =	vmax.f32 v10, v13  }
0x80: {  	(xrf0) =	vmax.scan.msk.f32 $0xffff, v10;
	_ =	sdelay $0x1  }
0x81: {  	s25 =	sand.u32 $0xFFFFFFF0, s25  }
0x82: {  	v10 =	vld [tilespmem:s25+$0x2000];
	_ =	sdelay $0x2  }
0x83: {  	v11, _, _ =	vpop (xrf0)  }
0x84: {  	vm0 =	veq.s32 v9, v0;
	v9 =	vbroadcast v11, $0xF;
	_ =	sdelay $0x1  }
0x85: {  	s26 =	sand.u32 $0x30, s23;
	v9 =	vsel vm0, v9, v10  }
0x86: {  	[tilespmem:s25+$0x2000] =	vst v9  }
0x87: {  	v9 =	vld [tilespmem:s26+$0x2080]  }
0x88: {  	s25 =	sand.u32 $0xF, s23;
	s23 =	smov.u32 s22;
	s22 =	smov.u32 s29  }
0x89: {  	v10 =	vmov s25  }
0x8a: {  	vm0 =	veq.s32 v10, v0;
	_ =	sdelay $0x1  }
0x8b: {  	v9 =	vsel vm0, s28, v9  }
0x8c: {  	[tilespmem:s26+$0x2080] =	vst v9  }
0x8d: {  	v9 =	vld [tilespmem:$0x2010]  }
0x8e: {  	v11 =	vld [tilespmem:$0x2000]  }
0x8f: {  	v12 =	vld [tilespmem:$0x2020]  }
0x90: {  	v13 =	vld [tilespmem:$0x2030]  }
0x91: {  	v14 =	vld [tilespmem:$0x2040]  }
0x92: {  	v15 =	vld [tilespmem:$0x2050]  }
0x93: {  	v16 =	vld [tilespmem:$0x2060];
	v10 =	vmax.f32 v11, v9  }
0x94: {  	v17 =	vld [tilespmem:$0x2070];
	v10 =	vmax.f32 v10, v12  }
0x95: {  	v10 =	vmax.f32 v10, v13  }
0x96: {  	v10 =	vmax.f32 v10, v14  }
0x97: {  	v10 =	vmax.f32 v10, v15  }
0x98: {  	v10 =	vmax.f32 v10, v16  }
0x99: {  	v10 =	vmax.f32 v10, v17  }
0x9a: {  	(xrf0) =	vmax.scan.msk.f32 $0xffff, v10;
	_ =	sdelay $0x5  }
0x9b: {  	v10, _, _ =	vpop (xrf0)  }
0x9c: {  	v10 =	vbroadcast v10, $0xF;
	_ =	sdelay $0x1  }
0x9d: {  	vm0 =	veq.f32 v11, v10;
	vm1 =	veq.f32 v9, v10;
	vm2 =	veq.f32 v12, v10  }
0x9e: {  	v9 =	vnsel vm0, $0x80100000, v1;
	v11 =	vnsel vm1, $0x80100000, v2;
	v12 =	vnsel vm2, $0x80100000, v3  }
0x9f: {  	vm0 =	veq.f32 v13, v10;
	vm1 =	veq.f32 v14, v10;
	vm2 =	veq.f32 v15, v10;
	(xrf0) =	vmin.scan.msk.u32 $0xffff, v9  }
0xa0: {  	v9 =	vnsel vm0, $0x80100000, v4;
	v13 =	vnsel vm1, $0x80100000, v5;
	v14 =	vnsel vm2, $0x80100000, v6;
	(xrf0) =	vmin.scan.msk.u32 $0xffff, v11  }
0xa1: {  	vm0 =	veq.f32 v16, v10;
	vm1 =	veq.f32 v17, v10;
	(xrf0) =	vmin.scan.msk.u32 $0xffff, v12  }
0xa2: {  	v11 =	vnsel vm0, $0x80100000, v7;
	v12 =	vnsel vm1, $0x80100000, v8;
	(xrf0) =	vmin.scan.msk.u32 $0xffff, v9  }
0xa3: {  	(xrf0) =	vmin.scan.msk.u32 $0xffff, v13  }
0xa4: {  	(xrf0) =	vmin.scan.msk.u32 $0xffff, v14  }
0xa5: {  	v9, _, _ =	vpop (xrf0);
	(xrf0) =	vmin.scan.msk.u32 $0xffff, v11  }
0xa6: {  	(v2sf) =	vpush v9, $0xF;
	v9, _, _ =	vpop (xrf0);
	(xrf0) =	vmin.scan.msk.u32 $0xffff, v12  }
0xa7: {  	(v2sf) =	vpush v9, $0xF;
	v9, _, _ =	vpop (xrf0)  }
0xa8: {  	(v2sf) =	vpush v9, $0xF;
	v9, _, _ =	vpop (xrf0)  }
0xa9: {  	(v2sf) =	vpush v9, $0xF;
	v9, _, _ =	vpop (xrf0)  }
0xaa: {  	(v2sf) =	vpush v9, $0xF;
	v9, _, _ =	vpop (xrf0)  }
0xab: {  	(v2sf) =	vpush v9, $0xF;
	v9, _, _ =	vpop (xrf0)  }
0xac: {  	(v2sf) =	vpush v9, $0xF;
	v9, _, _ =	vpop (xrf0)  }
0xad: {  	(v2sf) =	vpush v9, $0xF;
	_ =	sdelay $0x7  }
0xae: {  	s25 =	spop (v2sf)  }
0xaf: {  	s26 =	spop (v2sf)  }
0xb0: {  	s25 =	sxor.u32 $0x80000000, s25;
	s26 =	sxor.u32 $0x80000000, s26;
	s28 =	spop (v2sf)  }
0xb1: {  	p2 =	slt.s32 s25, s26;
	s29 =	spop (v2sf)  }
0xb2: {  	s26 =	smov.u32 @p2 s25;
	s25 =	sxor.u32 $0x80000000, s28;
	s28 =	spop (v2sf)  }
0xb3: {  	p2 =	slt.s32 s26, s25;
	s30 =	spop (v2sf)  }
0xb4: {  	s25 =	smov.u32 @p2 s26;
	s26 =	sxor.u32 $0x80000000, s29;
	s29 =	spop (v2sf)  }
0xb5: {  	p2 =	slt.s32 s25, s26;
	s31 =	spop (v2sf)  }
0xb6: {  	s26 =	smov.u32 @p2 s25;
	s25 =	sxor.u32 $0x80000000, s28  }
0xb7: {  	p2 =	slt.s32 s26, s25  }
0xb8: {  	s25 =	smov.u32 @p2 s26;
	s26 =	sxor.u32 $0x80000000, s30  }
0xb9: {  	p2 =	slt.s32 s25, s26  }
0xba: {  	s28 =	sxor.u32 $0x80000000, s29;
	s26 =	smov.u32 @p2 s25  }
0xbb: {  	p2 =	slt.s32 s26, s28  }
0xbc: {  	s25 =	sxor.u32 $0x80000000, s31;
	s28 =	smov.u32 @p2 s26  }
0xbd: {  	p2 =	slt.s32 s28, s25  }
0xbe: {  	s25 =	smov.u32 @p2 s28  }
0xbf: {  	p2 =	slt.s32 s25, $0x100000  }
0xc0: {  	s25 =	simm.s32 @!p2 $0x100000  }
0xc1: {  	s26 =	sshll.u32 s25, $0x6;
	s28 =	sand.u32 $0xF, s25  }
0xc2: {  	v11 =	vld [tilespmem:s26+$0x0];
	v9 =	vmov s28  }
0xc3: {  	v12 =	vld [tilespmem:s26+$0x10];
	_ =	sdelay $0x1  }
0xc4: {  	v13 =	vld [tilespmem:s26+$0x20];
	_ =	sdelay $0x1  }
0xc5: {  	vm0 =	veq.f32 v11, v10;
	v11 =	vld [tilespmem:s26+$0x30]  }
0xc6: {  	v14 =	vnsel vm0, $0x80100000, v1;
	vm0 =	veq.f32 v12, v10  }
0xc7: {  	v12 =	vnsel vm0, $0x80100000, v2;
	(xrf0) =	vmin.scan.msk.u32 $0xffff, v14  }
0xc8: {  	vm0 =	veq.f32 v13, v10;
	(xrf0) =	vmin.scan.msk.u32 $0xffff, v12  }
0xc9: {  	v12 =	vnsel vm0, $0x80100000, v3  }
0xca: {  	vm0 =	veq.f32 v11, v10;
	(xrf0) =	vmin.scan.msk.u32 $0xffff, v12  }
0xcb: {  	v11 =	vnsel vm0, $0x80100000, v4  }
0xcc: {  	(xrf0) =	vmin.scan.msk.u32 $0xffff, v11  }
0xcd: {  	v10, _, _ =	vpop (xrf0)  }
0xce: {  	(v2sf) =	vpush v10, $0xF;
	v10, _, _ =	vpop (xrf0)  }
0xcf: {  	(v2sf) =	vpush v10, $0xF  }
0xd0: {  	v10, _, _ =	vpop (xrf0)  }
0xd1: {  	(v2sf) =	vpush v10, $0xF  }
0xd2: {  	v10, _, _ =	vpop (xrf0)  }
0xd3: {  	(v2sf) =	vpush v10, $0xF;
	_ =	sdelay $0x9  }
0xd4: {  	s28 =	spop (v2sf)  }
0xd5: {  	s29 =	spop (v2sf)  }
0xd6: {  	s28 =	sxor.u32 $0x80000000, s28;
	s29 =	sxor.u32 $0x80000000, s29  }
0xd7: {  	p2 =	slt.s32 s28, s29;
	s30 =	spop (v2sf)  }
0xd8: {  	s29 =	smov.u32 @p2 s28;
	s28 =	sxor.u32 $0x80000000, s30  }
0xd9: {  	p2 =	slt.s32 s29, s28;
	s30 =	spop (v2sf)  }
0xda: {  	s28 =	smov.u32 @p2 s29;
	s29 =	sxor.u32 $0x80000000, s30  }
0xdb: {  	p2 =	slt.s32 s28, s29  }
0xdc: {  	s29 =	smov.u32 @p2 s28  }
0xdd: {  	p2 =	slt.s32 s29, $0x100000  }
0xde: {  	s29 =	simm.s32 @!p2 $0x100000  }
0xdf: {  	s28 =	sadd.s32 s29, s26;
	s30 =	sand.u32 $0xFFFFFFF0, s29;
	s29 =	sand.u32 $0xF, s29  }
0xe0: {  	s30 =	sadd.s32 s30, s26;
	v10 =	vmov s29  }
0xe1: {  	v11 =	vld [tilespmem:s30+$0x0];
	_ =	sdelay $0x1  }
.Ltmp0:
0xe2: {  	(pc) =	sbr.rel @p1 .LBB2_3-.Ltmp0, $4  }
0xe3: {  	_ = 	snop  }
0xe4: {  	vm0 =	veq.s32 v10, v0  }
0xe5: {  	v10 =	vsel vm0, $0xFF800000, v11  }
0xe6: {  	[tilespmem:s30+$0x0] =	vst v10  }
0xe7: {  	v10 =	vld [tilespmem:s26+$0x10]  }
0xe8: {  	v11 =	vld [tilespmem:s26+$0x0]  }
0xe9: {  	v12 =	vld [tilespmem:s26+$0x20]  }
0xea: {  	v13 =	vld [tilespmem:s26+$0x30];
	_ =	sdelay $0x2  }
0xeb: {  	v10 =	vmax.f32 v11, v10  }
0xec: {  	v10 =	vmax.f32 v10, v12  }
0xed: {  	v10 =	vmax.f32 v10, v13  }
0xee: {  	(xrf0) =	vmax.scan.msk.f32 $0xffff, v10;
	_ =	sdelay $0x2  }
0xef: {  	s24 =	sand.u32 $0xFFFFFFF0, s25  }
0xf0: {  	v10 =	vld [tilespmem:s24+$0x2000];
	_ =	sdelay $0x1  }
0xf1: {  	v11, _, _ =	vpop (xrf0)  }
0xf2: {  	v11 =	vbroadcast v11, $0xF  }
0xf3: {  	vm0 =	veq.s32 v9, v0  }
0xf4: {  	v9 =	vsel vm0, v11, v10  }
0xf5: {  	s31 =	sand.u32 $0x30, s23;
	[tilespmem:s24+$0x2000] =	vst v9  }
0xf6: {  	v9 =	vld [tilespmem:s31+$0x2080];
	_ =	sdelay $0x1  }
0xf7: {  	s24 =	sand.u32 $0xF, s23  }
0xf8: {  	v10 =	vmov s24  }
0xf9: {  	vm13 =	veq.s32 v10, v0  }
0xfa: {  	v9 =	vsel vm13, s28, v9  }
0xfb: {  	[tilespmem:s31+$0x2080] =	vst v9  }
0xfc: {  	v9 =	vld [tilespmem:$0x2010]  }
0xfd: {  	v10 =	vld [tilespmem:$0x2000]  }
0xfe: {  	v11 =	vld [tilespmem:$0x2020]  }
0xff: {  	v60 =	vld [tilespmem:$0x2030]  }
0x100: {  	v61 =	vld [tilespmem:$0x2040]  }
0x101: {  	v14 =	vld [tilespmem:$0x2050]  }
0x102: {  	v15 =	vld [tilespmem:$0x2060];
	v16 =	vmax.f32 v10, v9  }
0x103: {  	v17 =	vld [tilespmem:$0x2070];
	v16 =	vmax.f32 v16, v11  }
0x104: {  	v16 =	vmax.f32 v16, v60  }
0x105: {  	v16 =	vmax.f32 v16, v61  }
0x106: {  	v16 =	vmax.f32 v16, v14  }
0x107: {  	v16 =	vmax.f32 v16, v15  }
0x108: {  	v16 =	vmax.f32 v16, v17  }
0x109: {  	(xrf0) =	vmax.scan.msk.f32 $0xffff, v16;
	_ =	sdelay $0x5  }
0x10a: {  	v16, _, _ =	vpop (xrf0)  }
0x10b: {  	v16 =	vbroadcast v16, $0xF;
	_ =	sdelay $0x1  }
0x10c: {  	vm14 =	veq.f32 v10, v16  }
0x10d: {  	vm1 =	veq.f32 v9, v16;
	v9 =	vnsel vm14, $0x80100000, v1  }
0x10e: {  	v10 =	vnsel vm1, $0x80100000, v2;
	(xrf0) =	vmin.scan.msk.u32 $0xffff, v9  }
0x10f: {  	vm15 =	veq.f32 v11, v16;
	(xrf0) =	vmin.scan.msk.u32 $0xffff, v10  }
0x110: {  	vm4 =	veq.f32 v60, v16;
	v9 =	vnsel vm15, $0x80100000, v3  }
0x111: {  	vm5 =	veq.f32 v61, v16;
	(xrf0) =	vmin.scan.msk.u32 $0xffff, v9;
	v9 =	vnsel vm4, $0x80100000, v4  }
0x112: {  	(xrf0) =	vmin.scan.msk.u32 $0xffff, v9;
	v9 =	vnsel vm5, $0x80100000, v5;
	_ =	sdelay $0x1  }
0x113: {  	v10, _, _ =	vpop (xrf0)  }
0x114: {  	vm6 =	veq.f32 v14, v16;
	(xrf0) =	vmin.scan.msk.u32 $0xffff, v9;
	(v2sf) =	vpush v10, $0xF;
	v9, _, _ =	vpop (xrf0)  }
0x115: {  	v10 =	vnsel vm6, $0x80100000, v6;
	(v2sf) =	vpush v9, $0xF  }
0x116: {  	vm7 =	veq.f32 v15, v16;
	(xrf0) =	vmin.scan.msk.u32 $0xffff, v10;
	v9, _, _ =	vpop (xrf0)  }
0x117: {  	v10 =	vnsel vm7, $0x80100000, v7;
	(v2sf) =	vpush v9, $0xF  }
0x118: {  	vm8 =	veq.f32 v17, v16;
	(xrf0) =	vmin.scan.msk.u32 $0xffff, v10;
	v9, _, _ =	vpop (xrf0)  }
0x119: {  	v10 =	vnsel vm8, $0x80100000, v8;
	(v2sf) =	vpush v9, $0xF  }
0x11a: {  	(xrf0) =	vmin.scan.msk.u32 $0xffff, v10;
	v9, _, _ =	vpop (xrf0)  }
0x11b: {  	(v2sf) =	vpush v9, $0xF  }
0x11c: {  	v9, _, _ =	vpop (xrf0)  }
0x11d: {  	(v2sf) =	vpush v9, $0xF  }
0x11e: {  	v9, _, _ =	vpop (xrf0)  }
0x11f: {  	(v2sf) =	vpush v9, $0xF  }
0x120: {  	v9, _, _ =	vpop (xrf0)  }
0x121: {  	(v2sf) =	vpush v9, $0xF;
	_ =	sdelay $0x1  }
0x122: {  	s25 =	spop (v2sf)  }
0x123: {  	s26 =	spop (v2sf)  }
0x124: {  	s23 =	sxor.u32 $0x80000000, s25;
	s24 =	sxor.u32 $0x80000000, s26  }
0x125: {  	s28 =	spop (v2sf);
	p1 =	slt.s32 s23, s24  }
0x126: {  	s24 =	smov.u32 @p1 s23;
	s23 =	sxor.u32 $0x80000000, s28  }
0x127: {  	s29 =	spop (v2sf);
	p1 =	slt.s32 s24, s23  }
0x128: {  	s23 =	smov.u32 @p1 s24;
	s24 =	sxor.u32 $0x80000000, s29  }
0x129: {  	s30 =	spop (v2sf);
	p1 =	slt.s32 s23, s24  }
0x12a: {  	s24 =	smov.u32 @p1 s23;
	s23 =	sxor.u32 $0x80000000, s30  }
0x12b: {  	s31 =	spop (v2sf);
	p1 =	slt.s32 s24, s23  }
0x12c: {  	s23 =	smov.u32 @p1 s24;
	s24 =	sxor.u32 $0x80000000, s31  }
0x12d: {  	s26 =	spop (v2sf);
	p1 =	slt.s32 s23, s24  }
0x12e: {  	s24 =	smov.u32 @p1 s23;
	s23 =	sxor.u32 $0x80000000, s26  }
0x12f: {  	s28 =	spop (v2sf);
	p1 =	slt.s32 s24, s23  }
0x130: {  	s23 =	smov.u32 @p1 s24;
	s24 =	sxor.u32 $0x80000000, s28  }
0x131: {  	p1 =	slt.s32 s23, s24  }
0x132: {  	s24 =	smov.u32 @p1 s23  }
0x133: {  	p1 =	slt.s32 s24, $0x100000  }
0x134: {  	s24 =	simm.s32 @!p1 $0x100000  }
0x135: {  	s23 =	sshll.u32 s24, $0x6  }
0x136: {  	v9 =	vld [tilespmem:s23+$0x0];
	_ =	sdelay $0x1  }
0x137: {  	v10 =	vld [tilespmem:s23+$0x10];
	_ =	sdelay $0x1  }
0x138: {  	v11 =	vld [tilespmem:s23+$0x20]  }
0x139: {  	vm9 =	veq.f32 v9, v16;
	v9 =	vld [tilespmem:s23+$0x30];
	_ =	sdelay $0x1  }
0x13a: {  	vm10 =	veq.f32 v10, v16;
	v62 =	vnsel vm9, $0x80100000, v1  }
0x13b: {  	v10 =	vnsel vm10, $0x80100000, v2;
	(xrf0) =	vmin.scan.msk.u32 $0xffff, v62  }
0x13c: {  	vm11 =	veq.f32 v11, v16;
	(xrf0) =	vmin.scan.msk.u32 $0xffff, v10  }
0x13d: {  	v10 =	vnsel vm11, $0x80100000, v3;
	vm12 =	veq.f32 v9, v16  }
0x13e: {  	(xrf0) =	vmin.scan.msk.u32 $0xffff, v10;
	v9 =	vnsel vm12, $0x80100000, v4;
	_ =	sdelay $0x1  }
0x13f: {  	(xrf0) =	vmin.scan.msk.u32 $0xffff, v9  }
0x140: {  	v9, _, _ =	vpop (xrf0)  }
0x141: {  	(v2sf) =	vpush v9, $0xF;
	v9, _, _ =	vpop (xrf0)  }
0x142: {  	(v2sf) =	vpush v9, $0xF  }
0x143: {  	v9, _, _ =	vpop (xrf0)  }
0x144: {  	(v2sf) =	vpush v9, $0xF  }
0x145: {  	v9, _, _ =	vpop (xrf0)  }
0x146: {  	(v2sf) =	vpush v9, $0xF;
	_ =	sdelay $0x9  }
0x147: {  	s29 =	spop (v2sf)  }
0x148: {  	s30 =	spop (v2sf)  }
0x149: {  	s25 =	sxor.u32 $0x80000000, s29;
	s26 =	sxor.u32 $0x80000000, s30  }
0x14a: {  	s31 =	spop (v2sf);
	p1 =	slt.s32 s25, s26  }
0x14b: {  	s26 =	smov.u32 @p1 s25;
	s25 =	sxor.u32 $0x80000000, s31  }
0x14c: {  	s29 =	spop (v2sf);
	p1 =	slt.s32 s26, s25  }
0x14d: {  	s25 =	smov.u32 @p1 s26;
	s26 =	sxor.u32 $0x80000000, s29  }
0x14e: {  	p1 =	slt.s32 s25, s26  }
0x14f: {  	s26 =	smov.u32 @p1 s25  }
0x150: {  	p1 =	slt.s32 s26, $0x100000  }
0x151: {  	s26 =	simm.s32 @!p1 $0x100000  }
0x152: {  	s30 =	sand.u32 $0xFFFFFFF0, s26  }
0x153: {  	s25 =	sadd.s32 s30, s23  }
0x154: {  	v9 =	vld [tilespmem:s25+$0x0];
	_ =	sdelay $0x1  }
0x155: {  	s31 =	sand.u32 $0xF, s26  }
0x156: {  	v10 =	vmov s31  }
0x157: {  	vm13 =	veq.s32 v10, v0  }
0x158: {  	v9 =	vsel vm13, $0xFF800000, v9  }
0x159: {  	[tilespmem:s25+$0x0] =	vst v9  }
0x15a: {  	v9 =	vld [tilespmem:s23+$0x10]  }
0x15b: {  	v10 =	vld [tilespmem:s23+$0x0]  }
0x15c: {  	v11 =	vld [tilespmem:s23+$0x20]  }
0x15d: {  	v63 =	vld [tilespmem:s23+$0x30];
	_ =	sdelay $0x2  }
0x15e: {  	v9 =	vmax.f32 v10, v9  }
0x15f: {  	v9 =	vmax.f32 v9, v11  }
0x160: {  	v9 =	vmax.f32 v9, v63  }
0x161: {  	(xrf0) =	vmax.scan.msk.f32 $0xffff, v9;
	_ =	sdelay $0x2  }
0x162: {  	s28 =	sand.u32 $0xFFFFFFF0, s24  }
0x163: {  	v9 =	vld [tilespmem:s28+$0x2000];
	_ =	sdelay $0x1  }
0x164: {  	s24 =	sand.u32 $0xF, s24;
	v10, _, _ =	vpop (xrf0)  }
0x165: {  	v11 =	vmov s24;
	v10 =	vbroadcast v10, $0xF  }
0x166: {  	vm14 =	veq.s32 v11, v0  }
0x167: {  	v9 =	vsel vm14, v10, v9  }
0x168: {  	s29 =	sand.u32 $0x30, s22;
	[tilespmem:s28+$0x2000] =	vst v9  }
0x169: {  	v9 =	vld [tilespmem:s29+$0x2080];
	_ =	sdelay $0x1  }
0x16a: {  	s30 =	sand.u32 $0xF, s22  }
0x16b: {  	v10 =	vmov s30  }
0x16c: {  	s31 =	sadd.s32 s26, s23;
	vm15 =	veq.s32 v10, v0  }
0x16d: {  	v9 =	vsel vm15, s31, v9  }
0x16e: {  	s22 =	simm.s32 $0x1;
	[tilespmem:s29+$0x2080] =	vst v9  }
0x16f: {  	[tilespmem:s18], [sflag:$0x1] =	stream.indirect.gather [hbm4b:s5+s16], $0x80, s17, s16, $0xb8;
	[tilespmem:$0x3900] =	vst v63  }
0x170: {  	_ =	swait.ge [sflag:s22], $0x1800  }
0x171: {  	[sflag:s22] =	ssyncset.done $0x0  }
0x172: {  	s21 =	sadd.s32 s6, s21;
	[sflag:s22] =	ssyncadd.s32 $0xFFFFE800  }
0x173: {  	[hbm4b:s21+s1] =	stream.linear.scatter [tilespmem:s17], [sflag:$0x1], $0x80, $0x38;
	[tilespmem:$0x3900] =	vst v63  }
0x174: {  	s20 =	smul.u32 $0x300, s20;
	_ =	swait.ge [sflag:s22], $0x80  }
0x175: {  	[sflag:s22] =	ssyncset.done $0x0  }
.Ltmp1:
0x176: {  	s20 =	sadd.s32 s7, s20;
	[sflag:s22] =	ssyncadd.s32 $0xFFFFFF80;
	(pc) =	sbr.rel @p0 .LBB2_2-.Ltmp1, $4  }
0x177: {  	[hbm4b:s20+s1] =	stream.linear.scatter [tilespmem:s18], [sflag:$0x1], $0x1800, $0x38;
	[tilespmem:$0x3900] =	vst v63  }
0x178: {  	_ =	swait.ge [sflag:s22], $0x1800  }
0x179: {  	[sflag:s22] =	ssyncset.done $0x0  }
0x17a: {  	p1 =	por $0x0, $0x0;
	[sflag:s22] =	ssyncadd.s32 $0xFFFFE800  }
0x17b: {  	s19 =	sadd.s32 $0x1, s19  }
0x17c: {  	p0 =	sne.s32 s19, s12  }
.Ltmp2:
0x17d: {  	_ = 	snop;
	(pc) =	sbr.rel @p0 .LBB2_1-.Ltmp2, $1  }
0x17e: {  	_ =	sdelay $0x3  }
0x17f: {  	_ =	sfence.sel $0x180000  }
0x180: {  	[bflag:$0x0] =	sbarrier.arrive $0xFFFF  }
0x181: {  	p0 =	sne.s32 s4, $0x0;
	_ =	strace $0x90000047  }
0x182: {  	s0 =	sadd.s32 @!p0 $0x100000, s0;
	[bflag:$0x2] =	sbarrier.arrive $0xFFFF  }
0x183: {  	[sflag:s0] =	ssyncadd.tile.s32 @!p0 $0x1;
	_ =	shalt  }
.Lfunc_end2:
_tile_overlayer_lowered:
.L_overlay_start_2:
0x184: {  	(tag) =	ssettag $0x2  }
0x185: {  	s0 =	rddreg [dreg:$0x0];
	s2 =	stileid.u32  }
0x186: {  	s1 =	rddreg [dreg:$0x1];
	p0 =	sne.s32 s2, $0x0  }
0x187: {  	s3 =	rddreg [dreg:$0x2];
	[bflag:$0x3] =	sbarrier.arrive $0xFFFF;
	s2 =	simm.s32 @!p0 $0x1C01  }
0x188: {  	[timem:s3], [sflag:s2] =	dma.local @!p0 [hbm:s0], s1  }
0x189: {  	s0 =	simm.s32 @!p0 $0x1  }
0x18a: {  	_ =	swait.ge @!p0 [sflag:s0], s1  }
0x18b: {  	s1 =	ssub.s32 @!p0 $0x0, s1;
	[sflag:s0] =	ssyncset.done @!p0 $0x0  }
0x18c: {  	[sflag:s0] =	ssyncadd.s32 @!p0 s1  }
0x18d: {  	[bflag:$0x3] =	sbarrier.arrive $0xFFFF  }
0x18e: {  	_ =	shalt  }

// kernel: kernel.9.cloned.1.call-start
scs
__scs_entry_jumppad:
0x0: {  	(pc) =	sbr.rel $0x88, $3  }
0x1: {  	(tag) =	ssettag $0x0;
	lr =	simm.s32 $0x1  }
0x2: {  	[smem:$0x3F9B] =	sst lr;
	_ =	strace $0xD0000000  }
0x3: {  	_ = 	snop  }
0x4: {  	_ = 	snop  }
0x5: {  	_ = 	snop  }
0x6: {  	_ = 	snop  }
0x7: {  	_ = 	snop  }
__scs_overlays_trampoline_lowered:
0x8: {  	[smem:$0x3FAA] =	sst s0  }
0x9: {  	[smem:$0x3FAB] =	sst s1  }
0xa: {  	[smem:$0x3FAC] =	sst s2  }
0xb: {  	[smem:$0x3FAD] =	sst s3  }
0xc: {  	[smem:$0x3FAE] =	sst s4  }
0xd: {  	[smem:$0x3FAF] =	sst s5  }
0xe: {  	[smem:$0x3FB0] =	sst s6  }
0xf: {  	[smem:$0x3FB1] =	sst s7  }
0x10: {  	[smem:$0x3FB2] =	sst s8  }
0x11: {  	[smem:$0x3FB3] =	sst s9;
	s0 =	simm.s32 @!p0 $0x0  }
0x12: {  	s1 =	sld [smem:$0x3F99];
	s0 =	simm.s32 @p0 $0x1  }
0x13: {  	[smem:$0x3FB4] =	sst s0;
	s0 =	simm.s32 @!p1 $0x0  }
0x14: {  	s2 =	sld [smem:$0x3F98];
	s0 =	simm.s32 @p1 $0x1  }
0x15: {  	[smem:$0x3FB5] =	sst s0;
	s0 =	simm.s32 @!p2 $0x0  }
0x16: {  	s3 =	sld [smem:$0x3FDB];
	s0 =	simm.s32 @p2 $0x1  }
0x17: {  	s4 =	simm.s32 $0x1BF5;
	[smem:$0x3FB7] =	sst s0  }
0x18: {  	s0 =	sld [smem:$0x3F9A];
	_ =	swait.ge [sflag:s4], $0x0  }
0x19: {  	s7 =	sld [smem:$0x3F9B]  }
0x1a: {  	s8 =	sadd.s32 $0xFFFFE003, lr  }
0x1b: {  	s9 =	sadd.s32 $0xFFFFFEF7, lr;
	s5 =	simm.s32 $0xFFFFFFFF;
	p2 =	slt.u32 s8, $0xFFFFF086  }
0x1c: {  	p1 =	slt.u32 s9, $0xF7A;
	s5 =	simm.s32 @!p2 $0x0  }
0x1d: {  	s5 =	simm.s32 @p1 $0x1;
	p0 =	seq.s32 s7, s2  }
0x1e: {  	s7 =	smul.u32 @!p0 $0xF7A, s2;
	p2 =	seq.s32 @!p0 s5, $0x0  }
0x1f: {  	s9 =	smul.u32 $0xF7A, s1;
	s8 =	simm.s32 @!p0 $0x1BF5;
	p2 =	por !p2, p0  }
0x20: {  	[sflag:s8] =	ssyncset.s32 @!p0 $0xFFFFF086;
	s6 =	sadd.s32 @!p0 s3, s7;
	s7 =	simm.s32 @!p0 $0x108  }
0x21: {  	s3 =	sadd.s32 s3, s9;
	s6 =	sadd.s32 @!p0 $0x88, s6;
	s7 =	simm.s32 @p2 $0x1082  }
0x22: {  	[simem:s7], [sflag:s8] =	dma.local @!p0 [hbm:s6], $0xF7A  }
0x23: {  	s9 =	sor.u32 $0xD0000000, s2;
	s6 =	simm.s32 $0x108;
	_ =	swait.ge @!p0 [sflag:s8], $0x0  }
0x24: {  	s3 =	sadd.s32 $0x88, s3;
	s6 =	simm.s32 @!p1 $0x1082;
	[sflag:s4] =	ssyncset.s32 $0xFFFFF086  }
0x25: {  	[simem:s6], [sflag:s4] =	dma.local [hbm:s3], $0xF7A  }
0x26: {  	[smem:$0x3F9B] =	sst s1;
	(tag) =	ssettag s2;
	_ =	strace s9  }
0x27: {  	s1 =	sld [smem:$0x3FAB]  }
0x28: {  	s2 =	sld [smem:$0x3FAC]  }
0x29: {  	s4 =	sld [smem:$0x3FAE]  }
0x2a: {  	p0 =	seq.s32 s5, $0x0;
	s5 =	sld [smem:$0x3FAF]  }
0x2b: {  	s6 =	sld [smem:$0x3FB0]  }
0x2c: {  	s7 =	sld [smem:$0x3FB1]  }
0x2d: {  	s3 =	simm.s32 $0x108;
	s8 =	sld [smem:$0x3FB2]  }
0x2e: {  	s3 =	simm.s32 @!p0 $0x1082;
	s9 =	sld [smem:$0x3FB3]  }
0x2f: {  	lr =	sadd.s32 s0, s3;
	s0 =	sld [smem:$0x3FAA]  }
0x30: {  	s3 =	sld [smem:$0x3FAD]  }
0x31: {  	[smem:$0x3FB6] =	sst s10  }
0x32: {  	s10 =	sld [smem:$0x3FB4];
	_ =	sdelay $0x3  }
0x33: {  	p0 =	seq.s32 s10, $0x1;
	s10 =	sld [smem:$0x3FB6];
	_ =	sdelay $0x3  }
0x34: {  	[smem:$0x3FB6] =	sst s10  }
0x35: {  	s10 =	sld [smem:$0x3FB5];
	_ =	sdelay $0x3  }
0x36: {  	p1 =	seq.s32 s10, $0x1;
	s10 =	sld [smem:$0x3FB6];
	_ =	sdelay $0x3  }
0x37: {  	[smem:$0x3FB6] =	sst s10  }
0x38: {  	s10 =	sld [smem:$0x3FB7]  }
0x39: {  	_ = 	snop;
	(pc) =	sbr.ind lr, $3  }
0x3a: {  	_ = 	snop  }
0x3b: {  	_ = 	snop  }
0x3c: {  	p2 =	seq.s32 s10, $0x1;
	s10 =	sld [smem:$0x3FB6]  }
0x3d: {  	_ =	shalt  }
0x3e: {  	_ =	shalt  }
0x3f: {  	_ =	shalt  }
0x40: {  	_ =	shalt  }
0x41: {  	_ =	shalt  }
0x42: {  	_ =	shalt  }
0x43: {  	_ =	shalt  }
0x44: {  	_ =	shalt  }
0x45: {  	_ =	shalt  }
0x46: {  	_ =	shalt  }
0x47: {  	_ =	shalt  }
0x48: {  	_ =	shalt  }
0x49: {  	_ =	shalt  }
0x4a: {  	_ =	shalt  }
0x4b: {  	_ =	shalt  }
0x4c: {  	_ =	shalt  }
0x4d: {  	_ =	shalt  }
0x4e: {  	_ =	shalt  }
0x4f: {  	_ =	shalt  }
0x50: {  	_ =	shalt  }
0x51: {  	_ =	shalt  }
0x52: {  	_ =	shalt  }
0x53: {  	_ =	shalt  }
0x54: {  	_ =	shalt  }
0x55: {  	_ =	shalt  }
0x56: {  	_ =	shalt  }
0x57: {  	_ =	shalt  }
0x58: {  	_ =	shalt  }
0x59: {  	_ =	shalt  }
0x5a: {  	_ =	shalt  }
0x5b: {  	_ =	shalt  }
0x5c: {  	_ =	shalt  }
0x5d: {  	_ =	shalt  }
0x5e: {  	_ =	shalt  }
0x5f: {  	_ =	shalt  }
0x60: {  	_ =	shalt  }
0x61: {  	_ =	shalt  }
0x62: {  	_ =	shalt  }
0x63: {  	_ =	shalt  }
0x64: {  	_ =	shalt  }
0x65: {  	_ =	shalt  }
0x66: {  	_ =	shalt  }
0x67: {  	_ =	shalt  }
0x68: {  	_ =	shalt  }
0x69: {  	_ =	shalt  }
0x6a: {  	_ =	shalt  }
0x6b: {  	_ =	shalt  }
0x6c: {  	_ =	shalt  }
0x6d: {  	_ =	shalt  }
0x6e: {  	_ =	shalt  }
0x6f: {  	_ =	shalt  }
0x70: {  	_ =	shalt  }
0x71: {  	_ =	shalt  }
0x72: {  	_ =	shalt  }
0x73: {  	_ =	shalt  }
0x74: {  	_ =	shalt  }
0x75: {  	_ =	shalt  }
0x76: {  	_ =	shalt  }
0x77: {  	_ =	shalt  }
0x78: {  	_ =	shalt  }
0x79: {  	_ =	shalt  }
0x7a: {  	_ =	shalt  }
0x7b: {  	_ =	shalt  }
0x7c: {  	_ =	shalt  }
0x7d: {  	_ =	shalt  }
0x7e: {  	_ =	shalt  }
0x7f: {  	_ =	shalt  }
0x80: {  	_ =	shalt  }
0x81: {  	_ =	shalt  }
0x82: {  	_ =	shalt  }
0x83: {  	_ =	shalt  }
0x84: {  	_ =	shalt  }
0x85: {  	_ =	shalt  }
0x86: {  	_ =	shalt  }
0x87: {  	_ =	shalt  }
.Lfunc_end0:
.L_simem_size_0:
called_computation.1_lowered:
.L_overlay_start_0:
0x88: {  	s2 =	sld [smem:$0x3FD9]  }
0x89: {  	s3 =	sld [smem:$0x3FFE];
	_ =	sdelay $0x1  }
0x8a: {  	s1 =	srdreg.scid  }
0x8b: {  	s0 =	sand.u32 $0x1, s1  }
0x8c: {  	s16 =	sshll.u32 s0, $0xA;
	s2 =	sadd.s32 s3, s2  }
0x8d: {  	s2 =	sadd.s32 s2, s16  }
0x8e: {  	[smem:$0x3FC2] =	sst s2  }
0x8f: {  	_ = 	snop  }
0x90: {  	(tm) =	ssettm $0x1  }
0x91: {  	s17 =	sld [smem:$0x3FFB];
	_ =	sdelay $0x3  }
0x92: {  	_ =	strace s17  }
0x93: {  	s2 =	sld [smem:$0x3FFC];
	_ =	sdelay $0x3  }
0x94: {  	_ =	strace s2  }
0x95: {  	s2 =	sld [smem:$0x3FFD];
	_ =	sdelay $0x3  }
0x96: {  	_ =	strace s2  }
0x97: {  	_ =	strace $0x8FFFFFFF  }
0x98: {  	s18 =	sld [smem:$0x3FDB];
	_ =	sdelay $0x1  }
0x99: {  	s19 =	simm.s32 $_scs_section_size  }
0x9a: {  	s4 =	simm.s32 $_size__tile_overlayer_lowered;
	s5 =	simm.s32 $_tile_overlayer_lowered  }
0x9b: {  	s22 =	simm.s32 $0x1BFF;
	s21 =	sshll.u32 s5, $0x1;
	s2 =	sadd.s32 s19, s18  }
0x9c: {  	s6 =	simm.s32 $0x0;
	s20 =	sshll.u32 s4, $0x1;
	s4 =	sadd.s32 s21, s2  }
0x9d: {  	[timem:s6], [sflag:s22] =	dma.local [hbm:s4], s20  }
0x9e: {  	_ =	swait.ge [sflag:s22], s20  }
0x9f: {  	s3 =	ssub.s32 $0x0, s20;
	[sflag:s22] =	ssyncset.done $0x0  }
0xa0: {  	[sflag:s22] =	ssyncadd.s32 s3;
	_ =	sdelay $0x1  }
0xa1: {  	s23 =	simm.s32 $0x1B8B  }
0xa2: {  	_ =	swait.ge [sflag:s23], $0x1  }
0xa3: {  	[sflag:s23] =	ssyncset.done $0x0  }
0xa4: {  	s25 =	simm.s32 $0x1B8E;
	s24 =	sld [smem:$0x3FFE];
	[sflag:s23] =	ssyncadd.s32 $0xFFFFFFFF  }
0xa5: {  	s26 =	simm.s32 $execute0_lowered;
	[smem:$0x3FD2] =	sst s25  }
0xa6: {  	s4 =	sshll.u32 s26, $0x1;
	_ =	strace $0x80000049;
	[dreg:$0x1] =	wrdreg $0xFFFFFFFF  }
0xa7: {  	s28 =	simm.s32 $_size_execute0_lowered;
	s2 =	sadd.s32 s2, s4;
	[dreg:$0x0] =	wrdreg $0x0  }
0xa8: {  	s4 =	sshll.u32 s28, $0x1;
	[dreg:$0x2] =	wrdreg s2  }
0xa9: {  	[dreg:$0x3] =	wrdreg s4  }
0xaa: {  	[dreg:$0x4] =	wrdreg $0xC0  }
0xab: {  	_ =	task [dreg:s6], $0x5FFFF  }
0xac: {  	[dreg:$0x1] =	wrdreg $0xFFFFFFFF  }
0xad: {  	[dreg:$0x0] =	wrdreg $0x60  }
0xae: {  	[dreg:$0x2] =	wrdreg s24  }
0xaf: {  	[dreg:$0x3] =	wrdreg $0x9  }
0xb0: {  	_ =	task.clear_ibuf [dreg:s6], $0x4FFFF;
	_ =	strace $0x90000049  }
0xb1: {  	s29 =	simm.s32 $0x9;
	_ =	strace $0x8000004B  }
0xb2: {  	_ =	swait.ge [sflag:s29], $0x1  }
0xb3: {  	[sflag:s29] =	ssyncadd.s32 $0xFFFFFFFF  }
0xb4: {  	_ =	strace $0x9000004B  }
0xb5: {  	_ =	sfence  }
0xb6: {  	s30 =	sld [smem:$0x0];
	_ =	sdelay $0x2  }
0xb7: {  	s31 =	sshll.u32 s1, $0xD;
	s1 =	sshrl.u32 s1, $0x2  }
0xb8: {  	s3 =	sand.u32 $0x4000, s31;
	s1 =	sadd.s32 s1, s30  }
0xb9: {  	s0 =	sor.u32 s3, s0;
	s1 =	sshll.u32 s1, $0x11  }
0xba: {  	s0 =	sor.u32 s1, s0  }
0xbb: {  	s0 =	sadd.s32 $0x8F2B, s0  }
0xbc: {  	[sflag:s0] =	ssyncadd.remote.s32 $0x1  }
0xbd: {  	_ =	sfence.sel $0xFFFF  }
0xbe: {  	[dreg:$0x0] =	wrdreg $0xFFFFFFFF;
	(pc) =	sbr.abs _section_cstart, $3  }
0xbf: {  	[dreg:$0x1] =	wrdreg $0xFFFFFFFF  }
0xc0: {  	_ =	task.clear_ibuf [dreg:s6], $0x2FFFF;
	_ =	strace $0x9FFFFFFF  }
0xc1: {  	(tm) =	ssettm $0x7FFFFFFF  }
tec
execute0_lowered:
.L_overlay_start_1:
0x0: {  	(tag) =	ssettag $0x1  }
0x1: {  	s3 =	rddreg [dreg:$0x0]  }
0x2: {  	s0 =	rddreg [dreg:$0x1];
	s1 =	simm.s32 $0x0  }
0x3: {  	s2 =	srdreg.scid;
	s11 =	simm.s32 $0x180;
	s12 =	simm.s32 $0x100  }
0x4: {  	s13 =	simm.s32 $0x0;
	[smem:$0x7FF] =	sst s1;
	s7 =	sand.u32 $0x1, s2  }
0x5: {  	s2 =	sadd.s32 $0x2800, s3;
	s4 =	sadd.s32 $0x3EC00, s3;
	s5 =	sadd.s32 $0x2C00, s3  }
0x6: {  	s6 =	sadd.s32 $0x3000, s3;
	s3 =	stileid.u32;
	s8 =	ssub.s32 $0x2, s7  }
0x7: {  	_ =	strace $0x8000004A;
	s31 =	sshll.u32 s3, $0x6;
	s9 =	sshrl.u32 s8, $0x1  }
0x8: {  	s10 =	sshll.u32 s7, $0x5;
	s8 =	ssub.s32 s8, s9;
	s9 =	simm.s32 $0x1  }
0x9: {  	v0 =	vlaneseq.u32;
	s7 =	smax.u32 s8, $0x1;
	s8 =	sor.u32 s10, s31;
	s10 =	simm.s32 $0x80  }
.LBB2_1:
0xa: {  	p1 =	por $0x1, $0x1;
	s14 =	simm.s32 $0x0  }
.LBB2_2:
0xb: {  	s14 =	sor.u32 s8, s14  }
0xc: {  	s16 =	simm.s32 $0x0;
	s15 =	sadd.s32 s2, s14  }
0xd: {  	[tilespmem:s16], [sflag:$0x1] =	stream.linear.gather [hbm4b:s15+s16], $0x80, $0x38;
	[tilespmem:$0x200] =	vst v63  }
0xe: {  	_ =	swait.ge [sflag:s9], $0x80  }
0xf: {  	[sflag:s9] =	ssyncset.done $0x0  }
0x10: {  	s29 =	sadd.s32 s4, s14;
	[sflag:s9] =	ssyncadd.s32 $0xFFFFFF80  }
0x11: {  	[tilespmem:s10], [sflag:$0x1] =	stream.linear.gather [hbm4b:s29+s16], $0x80, $0x38;
	[tilespmem:$0x200] =	vst v63  }
0x12: {  	_ =	swait.ge [sflag:s9], $0x80  }
0x13: {  	[sflag:s9] =	ssyncset.done $0x0  }
0x14: {  	[sflag:s9] =	ssyncadd.s32 $0xFFFFFF80  }
0x15: {  	v2 =	vld [tilespmem:$0x0]  }
0x16: {  	v3 =	vld [tilespmem:$0x10]  }
0x17: {  	v4 =	vld [tilespmem:$0x20];
	_ =	sdelay $0x3  }
0x18: {  	v1 =	vmax.f32 v2, v3  }
0x19: {  	v1 =	vmax.f32 v1, v4  }
0x1a: {  	(xrf0) =	vmax.scan.msk.f32 $0xffff, v1;
	_ =	sdelay $0x3  }
0x1b: {  	v5 =	vld [tilespmem:$0x80]  }
0x1c: {  	v6 =	vld [tilespmem:$0x90]  }
0x1d: {  	v1, _, _ =	vpop (xrf0)  }
0x1e: {  	v7 =	vld [tilespmem:$0xA0];
	v1 =	vbroadcast v1, $0xF;
	_ =	sdelay $0x1  }
0x1f: {  	v8 =	vxor.u32 $0x80000000, v5;
	vm0 =	veq.f32 v2, v1  }
0x20: {  	v9 =	vxor.u32 $0x80000000, v6;
	vm1 =	veq.f32 v3, v1;
	v8 =	vnsel vm0, $0x80100000, v8  }
0x21: {  	v9 =	vnsel vm1, $0x80100000, v9;
	(xrf0) =	vmin.scan.msk.u32 $0xffff, v8  }
0x22: {  	v60 =	vxor.u32 $0x80000000, v7;
	vm2 =	veq.f32 v4, v1;
	(xrf0) =	vmin.scan.msk.u32 $0xffff, v9  }
0x23: {  	v8 =	vnsel vm2, $0x80100000, v60  }
0x24: {  	(xrf0) =	vmin.scan.msk.u32 $0xffff, v8;
	_ =	sdelay $0x2  }
0x25: {  	v61, _, _ =	vpop (xrf0)  }
0x26: {  	(v2sf) =	vpush v61, $0xF;
	v62, _, _ =	vpop (xrf0)  }
0x27: {  	(v2sf) =	vpush v62, $0xF  }
0x28: {  	v63, _, _ =	vpop (xrf0)  }
0x29: {  	(v2sf) =	vpush v63, $0xF;
	_ =	sdelay $0xb  }
0x2a: {  	s30 =	spop (v2sf)  }
0x2b: {  	s17 =	spop (v2sf)  }
0x2c: {  	s15 =	sxor.u32 $0x80000000, s30;
	s18 =	sxor.u32 $0x80000000, s17  }
0x2d: {  	s31 =	spop (v2sf);
	p0 =	slt.s32 s15, s18  }
0x2e: {  	s17 =	sxor.u32 $0x80000000, s31;
	s18 =	smov.u32 @p0 s15  }
0x2f: {  	p0 =	slt.s32 s18, s17  }
0x30: {  	s17 =	smov.u32 @p0 s18  }
0x31: {  	p0 =	slt.s32 s17, $0x100000  }
0x32: {  	s17 =	simm.s32 @!p0 $0x100000  }
0x33: {  	vm3 =	veq.s32 v7, s17  }
0x34: {  	vm4 =	veq.s32 v5, s17;
	vm2 =	vmand vm2, vm3  }
0x35: {  	vm15 =	veq.s32 v6, s17;
	vm0 =	vmand vm0, vm4;
	v4 =	vsel vm2, $0xFF800000, v4  }
0x36: {  	vm1 =	vmand vm1, vm15;
	v2 =	vsel vm0, $0xFF800000, v2;
	[tilespmem:$0x20] =	vst v4  }
0x37: {  	v3 =	vsel vm1, $0xFF800000, v3;
	[tilespmem:$0x0] =	vst v2  }
0x38: {  	s18 =	sand.u32 $0x10, s16;
	[tilespmem:$0x10] =	vst v3  }
0x39: {  	v2 =	vld [tilespmem:s18+$0x100]  }
0x3a: {  	v3 =	vld [tilespmem:s18+$0x180]  }
0x3b: {  	s15 =	simm.s32 $0x1;
	s16 =	sand.u32 $0xF, s16;
	p0 =	por p1, p1  }
.LBB2_3:
0x3c: {  	p1 =	sne.s32 s15, $0x1F;
	v4 =	vmov s16;
	s16 =	smov.u32 s15;
	s15 =	sadd.s32 $0x1, s15  }
0x3d: {  	vm0 =	veq.s32 v4, v0  }
0x3e: {  	v1 =	vsel vm0, v1, v2  }
0x3f: {  	[tilespmem:s18+$0x100] =	vst v1;
	v1 =	vsel vm0, s17, v3  }
0x40: {  	[tilespmem:s18+$0x180] =	vst v1;
	_ =	sdelay $0x1  }
0x41: {  	v2 =	vld [tilespmem:$0x0]  }
0x42: {  	v3 =	vld [tilespmem:$0x10]  }
0x43: {  	v4 =	vld [tilespmem:$0x20];
	_ =	sdelay $0x3  }
0x44: {  	v1 =	vmax.f32 v2, v3  }
0x45: {  	v1 =	vmax.f32 v1, v4  }
0x46: {  	(xrf0) =	vmax.scan.msk.f32 $0xffff, v1;
	_ =	sdelay $0x2  }
0x47: {  	v5 =	vld [tilespmem:$0x90]  }
0x48: {  	v6 =	vld [tilespmem:$0x80];
	_ =	sdelay $0x1  }
0x49: {  	v7 =	vld [tilespmem:$0xA0];
	v1, _, _ =	vpop (xrf0)  }
0x4a: {  	v1 =	vbroadcast v1, $0xF  }
0x4b: {  	v8 =	vxor.u32 $0x80000000, v5  }
0x4c: {  	vm0 =	veq.f32 v2, v1;
	v9 =	vxor.u32 $0x80000000, v6;
	vm1 =	veq.f32 v3, v1  }
0x4d: {  	v9 =	vnsel vm0, $0x80100000, v9;
	v8 =	vnsel vm1, $0x80100000, v8  }
0x4e: {  	vm2 =	veq.f32 v4, v1;
	v10 =	vxor.u32 $0x80000000, v7;
	(xrf0) =	vmin.scan.msk.u32 $0xffff, v9  }
0x4f: {  	v9 =	vnsel vm2, $0x80100000, v10;
	(xrf0) =	vmin.scan.msk.u32 $0xffff, v8  }
0x50: {  	(xrf0) =	vmin.scan.msk.u32 $0xffff, v9;
	_ =	sdelay $0x3  }
0x51: {  	v8, _, _ =	vpop (xrf0)  }
0x52: {  	(v2sf) =	vpush v8, $0xF;
	v8, _, _ =	vpop (xrf0)  }
0x53: {  	(v2sf) =	vpush v8, $0xF;
	v8, _, _ =	vpop (xrf0)  }
0x54: {  	(v2sf) =	vpush v8, $0xF;
	_ =	sdelay $0xc  }
0x55: {  	s17 =	spop (v2sf)  }
0x56: {  	s18 =	sxor.u32 $0x80000000, s17;
	s17 =	spop (v2sf)  }
0x57: {  	s19 =	sxor.u32 $0x80000000, s17;
	s17 =	spop (v2sf)  }
0x58: {  	p2 =	slt.s32 s18, s19;
	s17 =	sxor.u32 $0x80000000, s17  }
0x59: {  	s19 =	smov.u32 @p2 s18  }
0x5a: {  	p2 =	slt.s32 s19, s17  }
0x5b: {  	s17 =	smov.u32 @p2 s19  }
0x5c: {  	p2 =	slt.s32 s17, $0x100000  }
0x5d: {  	s17 =	simm.s32 @!p2 $0x100000  }
0x5e: {  	vm3 =	veq.s32 v6, s17;
	vm4 =	veq.s32 v5, s17;
	vm5 =	veq.s32 v7, s17  }
0x5f: {  	vm0 =	vmand vm0, vm3;
	vm1 =	vmand vm1, vm4;
	vm2 =	vmand vm2, vm5  }
0x60: {  	v2 =	vsel vm0, $0xFF800000, v2;
	v3 =	vsel vm1, $0xFF800000, v3;
	v4 =	vsel vm2, $0xFF800000, v4  }
0x61: {  	[tilespmem:$0x20] =	vst v4  }
.Ltmp0:
0x62: {  	[tilespmem:$0x0] =	vst v2;
	(pc) =	sbr.rel @p1 .LBB2_3-.Ltmp0, $4  }
0x63: {  	s18 =	sand.u32 $0x10, s16;
	[tilespmem:$0x10] =	vst v3  }
0x64: {  	v2 =	vld [tilespmem:s18+$0x100]  }
0x65: {  	v3 =	vld [tilespmem:s18+$0x180]  }
0x66: {  	s16 =	sand.u32 $0xF, s16  }
0x67: {  	v4 =	vmov s16  }
0x68: {  	vm0 =	veq.s32 v4, v0  }
0x69: {  	v1 =	vsel vm0, v1, v2  }
0x6a: {  	[tilespmem:s18+$0x100] =	vst v1;
	v1 =	vsel vm0, s17, v3  }
0x6b: {  	[tilespmem:s18+$0x180] =	vst v1  }
0x6c: {  	v1 =	vld [tilespmem:$0x100];
	_ =	sdelay $0x4  }
0x6d: {  	(xrf0) =	vmax.scan.msk.f32 $0xffff, v1;
	_ =	sdelay $0x4  }
0x6e: {  	v2 =	vld [tilespmem:$0x110]  }
0x6f: {  	v3, _, _ =	vpop (xrf0)  }
0x70: {  	v3 =	vbroadcast v3, $0xF;
	_ =	sdelay $0x1  }
0x71: {  	v1 =	vsub.f32 v1, v3  }
0x72: {  	v2 =	vsub.f32 v2, v3  }
0x73: {  	v1 =	vmul.f32 $1.442695020e+00, v1  }
0x74: {  	v2 =	vmul.f32 $1.442695020e+00, v2  }
0x75: {  	(erf) = vpow2.f32 v1  }
0x76: {  	(erf) = vpow2.f32 v2;
	_ =	sdelay $0x7  }
0x77: {  	v1 =	vpop (erf)  }
0x78: {  	v2 =	vpop (erf);
	(xrf2) =	vadd.scan.msk.f32 $0xffff, v1  }
0x79: {  	(xrf2) =	vadd.scan.msk.f32 $0xffff, v2;
	_ =	sdelay $0x8  }
0x7a: {  	v3, _, _ =	vpop (xrf2)  }
0x7b: {  	(v2sf) =	vpush v3, $0xF;
	v3, _, _ =	vpop (xrf2)  }
0x7c: {  	(v2sf) =	vpush v3, $0xF;
	_ =	sdelay $0xd  }
0x7d: {  	s15 =	spop (v2sf)  }
0x7e: {  	s29 =	spop (v2sf)  }
0x7f: {  	s15 =	sadd.f32 s29, s15;
	_ =	sdelay $0x1  }
0x80: {  	v3 =	vmov s15  }
0x81: {  	(erf) = vrcp.f32 v3;
	_ =	sdelay $0x8  }
0x82: {  	v3 =	vpop (erf)  }
0x83: {  	v1 =	vmul.f32 v3, v1  }
0x84: {  	v2 =	vmul.f32 v3, v2  }
0x85: {  	[tilespmem:$0x100] =	vst v1  }
0x86: {  	s30 =	sadd.s32 s5, s14;
	[tilespmem:$0x110] =	vst v2  }
0x87: {  	[hbm4b:s30+s1] =	stream.linear.scatter [tilespmem:s11], [sflag:$0x1], $0x80, $0x38;
	[tilespmem:$0x200] =	vst v63  }
0x88: {  	_ =	swait.ge [sflag:s9], $0x80  }
0x89: {  	[sflag:s9] =	ssyncset.done $0x0  }
.Ltmp1:
0x8a: {  	s31 =	sadd.s32 s6, s14;
	[sflag:s9] =	ssyncadd.s32 $0xFFFFFF80;
	(pc) =	sbr.rel @p0 .LBB2_2-.Ltmp1, $4  }
0x8b: {  	[hbm4b:s31+s1] =	stream.linear.scatter [tilespmem:s12], [sflag:$0x1], $0x80, $0x38;
	[tilespmem:$0x200] =	vst v63  }
0x8c: {  	_ =	swait.ge [sflag:s9], $0x80  }
0x8d: {  	[sflag:s9] =	ssyncset.done $0x0  }
0x8e: {  	s14 =	simm.s32 $0x10;
	p1 =	por $0x0, $0x0;
	[sflag:s9] =	ssyncadd.s32 $0xFFFFFF80  }
0x8f: {  	s13 =	sadd.s32 $0x1, s13  }
0x90: {  	p0 =	sne.s32 s13, s7  }
.Ltmp2:
0x91: {  	_ = 	snop;
	(pc) =	sbr.rel @p0 .LBB2_1-.Ltmp2, $1  }
0x92: {  	_ =	sdelay $0x3  }
0x93: {  	_ =	sfence.sel $0x180000  }
0x94: {  	[bflag:$0x0] =	sbarrier.arrive $0xFFFF  }
0x95: {  	p0 =	sne.s32 s3, $0x0;
	_ =	strace $0x9000004A  }
0x96: {  	s0 =	sadd.s32 @!p0 $0x100000, s0;
	[bflag:$0x2] =	sbarrier.arrive $0xFFFF  }
0x97: {  	[sflag:s0] =	ssyncadd.tile.s32 @!p0 $0x1;
	_ =	shalt  }
.Lfunc_end2:
_tile_overlayer_lowered:
.L_overlay_start_2:
0x98: {  	(tag) =	ssettag $0x2  }
0x99: {  	s0 =	rddreg [dreg:$0x0];
	s2 =	stileid.u32  }
0x9a: {  	s1 =	rddreg [dreg:$0x1];
	p0 =	sne.s32 s2, $0x0  }
0x9b: {  	s3 =	rddreg [dreg:$0x2];
	[bflag:$0x3] =	sbarrier.arrive $0xFFFF;
	s2 =	simm.s32 @!p0 $0x1C01  }
0x9c: {  	[timem:s3], [sflag:s2] =	dma.local @!p0 [hbm:s0], s1  }
0x9d: {  	s0 =	simm.s32 @!p0 $0x1  }
0x9e: {  	_ =	swait.ge @!p0 [sflag:s0], s1  }
0x9f: {  	s1 =	ssub.s32 @!p0 $0x0, s1;
	[sflag:s0] =	ssyncset.done @!p0 $0x0  }
0xa0: {  	[sflag:s0] =	ssyncadd.s32 @!p0 s1  }
0xa1: {  	[bflag:$0x3] =	sbarrier.arrive $0xFFFF  }
0xa2: {  	_ =	shalt  }

</sc_bundles>
